<compile_context>
chip_gen: v7x
topology: tpu7x:2x2x1
jax: 0.10.2.dev20260603
libtpu: 0.0.44.dev20260713+nightly
codegen_flags: <defaults>
</compile_context>

<pallas_src>
import jax
import jax.numpy as jnp
from jax import lax
from jax.experimental import pallas as pl
from jax.experimental.pallas import tpu as pltpu
from jax.experimental.pallas import tpu_sc as plsc

NC = 2
NS = 16
NW = NC * NS

ACTION_SIZE = 1_000_000
FEATURE_DIM = 64
BATCH = 16384
HIST = 200

TOT = BATCH * HIST
IDX_MINOR = 128
ROWS = TOT // IDX_MINOR
ROWS_PER_W = ROWS // NW
CHUNK_ROWS = 5
CHUNK = CHUNK_ROWS * IDX_MINOR
OUT_ROWS_PER_CHUNK = CHUNK // 2
N_CHUNKS = ROWS_PER_W // CHUNK_ROWS
N_ITERS = N_CHUNKS // 2


def _body(idx_hbm, table_hbm, out_hbm,
          idx0, idx1, rows0, rows1,
          isem0, isem1, gsem0, gsem1, ssem0, ssem1):
    wid = lax.axis_index("s") * NC + lax.axis_index("c")
    r0 = wid * ROWS_PER_W

    def idx_copy(c, buf, sem):
        pltpu.async_copy(idx_hbm.at[pl.ds(r0 + c * CHUNK_ROWS, CHUNK_ROWS)],
                         buf, sem)

    def wait_idx(buf, sem):
        pltpu.make_async_copy(idx_hbm.at[pl.ds(r0, CHUNK_ROWS)], buf, sem).wait()

    def gathers(idxbuf, rowbuf, sem):
        for j in range(CHUNK_ROWS):
            pltpu.async_copy(
                table_hbm.at[idxbuf.at[j]],
                rowbuf.at[pl.ds(j * IDX_MINOR, IDX_MINOR)],
                sem,
            )

    def wait_gathers(rowbuf, sem):
        pltpu.make_async_copy(table_hbm.at[pl.ds(0, CHUNK)], rowbuf, sem).wait()

    def scatter(c, rowbuf, sem):
        base = (r0 + c * CHUNK_ROWS) * IDX_MINOR
        pltpu.async_copy(
            rowbuf,
            out_hbm.at[pl.ds(base, CHUNK), pl.ds(0, FEATURE_DIM)],
            sem,
        )

    def wait_scatter(rowbuf, sem):
        pltpu.make_async_copy(table_hbm.at[pl.ds(0, CHUNK)], rowbuf, sem).wait()

    idx_copy(0, idx0, isem0)
    wait_idx(idx0, isem0)
    gathers(idx0, rows0, gsem0)
    idx_copy(1, idx1, isem1)

    def step(i, _):
        c0 = 2 * i
        c1 = c0 + 1
        wait_idx(idx1, isem1)

        @pl.when(i > 0)
        def _():
            wait_scatter(rows1, ssem1)

        gathers(idx1, rows1, gsem1)
        wait_gathers(rows0, gsem0)
        scatter(c0, rows0, ssem0)

        @pl.when(i < N_ITERS - 1)
        def _():
            idx_copy(c0 + 2, idx0, isem0)

        wait_scatter(rows0, ssem0)

        @pl.when(i < N_ITERS - 1)
        def _():
            wait_idx(idx0, isem0)
            gathers(idx0, rows0, gsem0)

        wait_gathers(rows1, gsem1)
        scatter(c1, rows1, ssem1)

        @pl.when(i < N_ITERS - 1)
        def _():
            idx_copy(c1 + 2, idx1, isem1)

        return ()

    lax.fori_loop(0, N_ITERS, step, ())

    wait_scatter(rows1, ssem1)


@jax.jit
def kernel(x, wte):
    xf = x.reshape(ROWS, IDX_MINOR).astype(jnp.int32)
    mesh = plsc.VectorSubcoreMesh(core_axis_name="c", subcore_axis_name="s")
    out = pl.kernel(
        _body,
        out_type=jax.ShapeDtypeStruct((TOT, 2 * FEATURE_DIM), jnp.float32),
        mesh=mesh,
        compiler_params=pltpu.CompilerParams(use_tc_tiling_on_sc=False),
        scratch_types=[
            pltpu.VMEM((CHUNK_ROWS, IDX_MINOR), jnp.int32),
            pltpu.VMEM((CHUNK_ROWS, IDX_MINOR), jnp.int32),
            pltpu.VMEM((CHUNK, FEATURE_DIM), jnp.float32),
            pltpu.VMEM((CHUNK, FEATURE_DIM), jnp.float32),
            pltpu.SemaphoreType.DMA,
            pltpu.SemaphoreType.DMA,
            pltpu.SemaphoreType.DMA,
            pltpu.SemaphoreType.DMA,
            pltpu.SemaphoreType.DMA,
            pltpu.SemaphoreType.DMA,
        ],
    )(xf, wte)
    return out[:, :FEATURE_DIM].reshape(BATCH, HIST, FEATURE_DIM)

# --- scband reference (transcript-rebuilt; emitter-appended) ---
"""Pipeline reference for scband-action-encoder-19018115187026 (READ-ONLY COPY).

The authoritative reference and input builder live on the scoring server;
editing this copy changes nothing except your own understanding.
"""

import jax, jax.numpy as jnp
import numpy as np

ACTION_SIZE = 1000000
FEATURE_DIM = 64
BATCH = 16384
HIST = 200

def setup_inputs(seed: int = 0) -> dict:
    key = jax.random.key(seed)
    k1, k2 = jax.random.split(key)
    x = jax.random.randint(k1, (BATCH, HIST), 0, ACTION_SIZE, dtype=jnp.int64 if jax.config.jax_enable_x64 else jnp.int32)
    wte = jax.random.normal(k2, (ACTION_SIZE, FEATURE_DIM), dtype=jnp.float32) * 0.02
    return {"x": x, "wte": wte}

def reference(x, wte):
    # nn.Embedding forward: gather rows of the table by index
    return jnp.take(wte, x, axis=0)

if __name__ == "__main__":
    import jax
    _d = setup_inputs()
    print(jax.jit(kernel)(*tuple(_d.values())))

</pallas_src>

<mosaic_0001>
#map = affine_map<(d0, d1) -> (0, 0)>
module attributes {stable_mosaic.version = 14 : i64} {
  func.func @_body(%arg0: i32, %arg1: i32, %arg2: memref<25600x128xi32, #tpu.memory_space<hbm>>, %arg3: memref<1000000x64xf32, #tpu.memory_space<hbm>>, %arg4: memref<3276800x128xf32, #tpu.memory_space<hbm>>, %arg5: memref<5x128xi32, #tpu.memory_space<vmem>>, %arg6: memref<5x128xi32, #tpu.memory_space<vmem>>, %arg7: memref<640x64xf32, #tpu.memory_space<vmem>>, %arg8: memref<640x64xf32, #tpu.memory_space<vmem>>, %arg9: memref<!tpu.dma_semaphore, #tpu.memory_space<semaphore_mem>>, %arg10: memref<!tpu.dma_semaphore, #tpu.memory_space<semaphore_mem>>, %arg11: memref<!tpu.dma_semaphore, #tpu.memory_space<semaphore_mem>>, %arg12: memref<!tpu.dma_semaphore, #tpu.memory_space<semaphore_mem>>, %arg13: memref<!tpu.dma_semaphore, #tpu.memory_space<semaphore_mem>>, %arg14: memref<!tpu.dma_semaphore, #tpu.memory_space<semaphore_mem>>) attributes {dimension_semantics = [#tpu.dimension_semantics<core_parallel>, #tpu.dimension_semantics<subcore_parallel>], iteration_bounds = array<i64: 2, 16>, scalar_prefetch = 0 : i64, scratch_operands = 10 : i64, tpu.core_type = #tpu.core_type<sc_vector_subcore>, window_params = [{transform_indices = #map}, {transform_indices = #map}, {transform_indices = #map}]} {
    %mul3A = arith.constant 2 : i32
    %mul3A_0 = arith.muli %arg1, %mul3A : i32
    %add3A = arith.addi %mul3A_0, %arg0 : i32
    %mul3A_1 = arith.constant 800 : i32
    %mul3A_2 = arith.muli %add3A, %mul3A_1 : i32
    %add3A_3 = arith.constant 0 : i32
    %add3A_4 = arith.addi %mul3A_2, %add3A_3 : i32
    %dma_start3A = arith.constant 0 : i32
    %dma_start3A_5 = tpu.memref_slice %arg2[%add3A_4, %dma_start3A] : memref<25600x128xi32, #tpu.memory_space<hbm>> -> memref<5x128xi32, #tpu.memory_space<hbm>>
    %dma_start3A_6 = arith.constant 0 : i32
    %dma_start3A_7 = tpu.memref_slice %arg2[%add3A_4, %dma_start3A_6] : memref<25600x128xi32, #tpu.memory_space<hbm>> -> memref<5x128xi32, #tpu.memory_space<hbm>>
    tpu.enqueue_dma source(%dma_start3A_7 : memref<5x128xi32, #tpu.memory_space<hbm>>) target(%arg5 : memref<5x128xi32, #tpu.memory_space<vmem>>) target_semaphore(%arg9 : memref<!tpu.dma_semaphore, #tpu.memory_space<semaphore_mem>>)
    %dma_wait3A = arith.constant 0 : i32
    %dma_wait3A_8 = tpu.memref_slice %arg2[%mul3A_2, %dma_wait3A] : memref<25600x128xi32, #tpu.memory_space<hbm>> -> memref<5x128xi32, #tpu.memory_space<hbm>>
    %dma_wait3A_9 = arith.constant 0 : i32
    %dma_wait3A_10 = tpu.memref_slice %arg2[%mul3A_2, %dma_wait3A_9] : memref<25600x128xi32, #tpu.memory_space<hbm>> -> memref<5x128xi32, #tpu.memory_space<hbm>>
    tpu.wait_dma2 semaphore(%arg9 : memref<!tpu.dma_semaphore, #tpu.memory_space<semaphore_mem>>) src(%dma_wait3A_10 : memref<5x128xi32, #tpu.memory_space<hbm>>) dst(%arg5 : memref<5x128xi32, #tpu.memory_space<vmem>>)
    %dma_start3A_11 = arith.constant 0 : i32
    %dma_start3A_12 = arith.constant 0 : i32
    %dma_start3A_13 = arith.constant 0 : i32
    %dma_start3A_14 = tpu.memref_slice %arg7[%dma_start3A_12, %dma_start3A_13] : memref<640x64xf32, #tpu.memory_space<vmem>> -> memref<128x64xf32, #tpu.memory_space<vmem>>
    %dma_start3A_15 = arith.constant 0 : i32
    %dma_start3A_16 = tpu.memref_slice %arg5[%dma_start3A_11, %dma_start3A_15] : memref<5x128xi32, #tpu.memory_space<vmem>> -> memref<1x128xi32, #tpu.memory_space<vmem>>
    %dma_start3A_17 = tpu.memref_squeeze %dma_start3A_16 : memref<1x128xi32, #tpu.memory_space<vmem>> -> memref<128xi32, #tpu.memory_space<vmem>>
    %dma_start3A_18 = arith.constant 0 : i32
    %dma_start3A_19 = arith.constant 0 : i32
    %dma_start3A_20 = tpu.memref_slice %arg3[%dma_start3A_18, %dma_start3A_19] : memref<1000000x64xf32, #tpu.memory_space<hbm>> -> memref<1000000x64xf32, #tpu.memory_space<hbm>>
    tpu.enqueue_indirect_dma source(%dma_start3A_20 : memref<1000000x64xf32, #tpu.memory_space<hbm>>) target(%dma_start3A_14 : memref<128x64xf32, #tpu.memory_space<vmem>>) offsets(%dma_start3A_17 : memref<128xi32, #tpu.memory_space<vmem>>) semaphore(%arg11 : memref<!tpu.dma_semaphore, #tpu.memory_space<semaphore_mem>>)
    %dma_start3A_21 = arith.constant 1 : i32
    %dma_start3A_22 = arith.constant 128 : i32
    %dma_start3A_23 = arith.constant 0 : i32
    %dma_start3A_24 = tpu.memref_slice %arg7[%dma_start3A_22, %dma_start3A_23] : memref<640x64xf32, #tpu.memory_space<vmem>> -> memref<128x64xf32, #tpu.memory_space<vmem>>
    %dma_start3A_25 = arith.constant 0 : i32
    %dma_start3A_26 = tpu.memref_slice %arg5[%dma_start3A_21, %dma_start3A_25] : memref<5x128xi32, #tpu.memory_space<vmem>> -> memref<1x128xi32, #tpu.memory_space<vmem>>
    %dma_start3A_27 = tpu.memref_squeeze %dma_start3A_26 : memref<1x128xi32, #tpu.memory_space<vmem>> -> memref<128xi32, #tpu.memory_space<vmem>>
    %dma_start3A_28 = arith.constant 0 : i32
    %dma_start3A_29 = arith.constant 0 : i32
    %dma_start3A_30 = tpu.memref_slice %arg3[%dma_start3A_28, %dma_start3A_29] : memref<1000000x64xf32, #tpu.memory_space<hbm>> -> memref<1000000x64xf32, #tpu.memory_space<hbm>>
    tpu.enqueue_indirect_dma source(%dma_start3A_30 : memref<1000000x64xf32, #tpu.memory_space<hbm>>) target(%dma_start3A_24 : memref<128x64xf32, #tpu.memory_space<vmem>>) offsets(%dma_start3A_27 : memref<128xi32, #tpu.memory_space<vmem>>) semaphore(%arg11 : memref<!tpu.dma_semaphore, #tpu.memory_space<semaphore_mem>>)
    %dma_start3A_31 = arith.constant 2 : i32
    %dma_start3A_32 = arith.constant 256 : i32
    %dma_start3A_33 = arith.constant 0 : i32
    %dma_start3A_34 = tpu.memref_slice %arg7[%dma_start3A_32, %dma_start3A_33] : memref<640x64xf32, #tpu.memory_space<vmem>> -> memref<128x64xf32, #tpu.memory_space<vmem>>
    %dma_start3A_35 = arith.constant 0 : i32
    %dma_start3A_36 = tpu.memref_slice %arg5[%dma_start3A_31, %dma_start3A_35] : memref<5x128xi32, #tpu.memory_space<vmem>> -> memref<1x128xi32, #tpu.memory_space<vmem>>
    %dma_start3A_37 = tpu.memref_squeeze %dma_start3A_36 : memref<1x128xi32, #tpu.memory_space<vmem>> -> memref<128xi32, #tpu.memory_space<vmem>>
    %dma_start3A_38 = arith.constant 0 : i32
    %dma_start3A_39 = arith.constant 0 : i32
    %dma_start3A_40 = tpu.memref_slice %arg3[%dma_start3A_38, %dma_start3A_39] : memref<1000000x64xf32, #tpu.memory_space<hbm>> -> memref<1000000x64xf32, #tpu.memory_space<hbm>>
    tpu.enqueue_indirect_dma source(%dma_start3A_40 : memref<1000000x64xf32, #tpu.memory_space<hbm>>) target(%dma_start3A_34 : memref<128x64xf32, #tpu.memory_space<vmem>>) offsets(%dma_start3A_37 : memref<128xi32, #tpu.memory_space<vmem>>) semaphore(%arg11 : memref<!tpu.dma_semaphore, #tpu.memory_space<semaphore_mem>>)
    %dma_start3A_41 = arith.constant 3 : i32
    %dma_start3A_42 = arith.constant 384 : i32
    %dma_start3A_43 = arith.constant 0 : i32
    %dma_start3A_44 = tpu.memref_slice %arg7[%dma_start3A_42, %dma_start3A_43] : memref<640x64xf32, #tpu.memory_space<vmem>> -> memref<128x64xf32, #tpu.memory_space<vmem>>
    %dma_start3A_45 = arith.constant 0 : i32
    %dma_start3A_46 = tpu.memref_slice %arg5[%dma_start3A_41, %dma_start3A_45] : memref<5x128xi32, #tpu.memory_space<vmem>> -> memref<1x128xi32, #tpu.memory_space<vmem>>
    %dma_start3A_47 = tpu.memref_squeeze %dma_start3A_46 : memref<1x128xi32, #tpu.memory_space<vmem>> -> memref<128xi32, #tpu.memory_space<vmem>>
    %dma_start3A_48 = arith.constant 0 : i32
    %dma_start3A_49 = arith.constant 0 : i32
    %dma_start3A_50 = tpu.memref_slice %arg3[%dma_start3A_48, %dma_start3A_49] : memref<1000000x64xf32, #tpu.memory_space<hbm>> -> memref<1000000x64xf32, #tpu.memory_space<hbm>>
    tpu.enqueue_indirect_dma source(%dma_start3A_50 : memref<1000000x64xf32, #tpu.memory_space<hbm>>) target(%dma_start3A_44 : memref<128x64xf32, #tpu.memory_space<vmem>>) offsets(%dma_start3A_47 : memref<128xi32, #tpu.memory_space<vmem>>) semaphore(%arg11 : memref<!tpu.dma_semaphore, #tpu.memory_space<semaphore_mem>>)
    %dma_start3A_51 = arith.constant 4 : i32
    %dma_start3A_52 = arith.constant 512 : i32
    %dma_start3A_53 = arith.constant 0 : i32
    %dma_start3A_54 = tpu.memref_slice %arg7[%dma_start3A_52, %dma_start3A_53] : memref<640x64xf32, #tpu.memory_space<vmem>> -> memref<128x64xf32, #tpu.memory_space<vmem>>
    %dma_start3A_55 = arith.constant 0 : i32
    %dma_start3A_56 = tpu.memref_slice %arg5[%dma_start3A_51, %dma_start3A_55] : memref<5x128xi32, #tpu.memory_space<vmem>> -> memref<1x128xi32, #tpu.memory_space<vmem>>
    %dma_start3A_57 = tpu.memref_squeeze %dma_start3A_56 : memref<1x128xi32, #tpu.memory_space<vmem>> -> memref<128xi32, #tpu.memory_space<vmem>>
    %dma_start3A_58 = arith.constant 0 : i32
    %dma_start3A_59 = arith.constant 0 : i32
    %dma_start3A_60 = tpu.memref_slice %arg3[%dma_start3A_58, %dma_start3A_59] : memref<1000000x64xf32, #tpu.memory_space<hbm>> -> memref<1000000x64xf32, #tpu.memory_space<hbm>>
    tpu.enqueue_indirect_dma source(%dma_start3A_60 : memref<1000000x64xf32, #tpu.memory_space<hbm>>) target(%dma_start3A_54 : memref<128x64xf32, #tpu.memory_space<vmem>>) offsets(%dma_start3A_57 : memref<128xi32, #tpu.memory_space<vmem>>) semaphore(%arg11 : memref<!tpu.dma_semaphore, #tpu.memory_space<semaphore_mem>>)
    %add3A_61 = arith.constant 5 : i32
    %add3A_62 = arith.addi %mul3A_2, %add3A_61 : i32
    %dma_start3A_63 = arith.constant 0 : i32
    %dma_start3A_64 = tpu.memref_slice %arg2[%add3A_62, %dma_start3A_63] : memref<25600x128xi32, #tpu.memory_space<hbm>> -> memref<5x128xi32, #tpu.memory_space<hbm>>
    %dma_start3A_65 = arith.constant 0 : i32
    %dma_start3A_66 = tpu.memref_slice %arg2[%add3A_62, %dma_start3A_65] : memref<25600x128xi32, #tpu.memory_space<hbm>> -> memref<5x128xi32, #tpu.memory_space<hbm>>
    tpu.enqueue_dma source(%dma_start3A_66 : memref<5x128xi32, #tpu.memory_space<hbm>>) target(%arg6 : memref<5x128xi32, #tpu.memory_space<vmem>>) target_semaphore(%arg10 : memref<!tpu.dma_semaphore, #tpu.memory_space<semaphore_mem>>)
    %scan3A = arith.constant 0 : i32
    %scan3A_67 = arith.constant 80 : i32
    %scan3A_68 = arith.addi %scan3A, %scan3A_67 : i32
    %scan3A_69 = arith.constant 1 : i32
    scf.for %scan3A_77 = %scan3A to %scan3A_68 step %scan3A_69  : i32 {
      %mul3A_78 = arith.constant 2 : i32
      %mul3A_79 = arith.muli %mul3A_78, %scan3A_77 : i32
      %add3A_80 = arith.constant 1 : i32
      %add3A_81 = arith.addi %mul3A_79, %add3A_80 : i32
      %dma_wait3A_82 = arith.constant 0 : i32
      %dma_wait3A_83 = tpu.memref_slice %arg2[%mul3A_2, %dma_wait3A_82] : memref<25600x128xi32, #tpu.memory_space<hbm>> -> memref<5x128xi32, #tpu.memory_space<hbm>>
      %dma_wait3A_84 = arith.constant 0 : i32
      %dma_wait3A_85 = tpu.memref_slice %arg2[%mul3A_2, %dma_wait3A_84] : memref<25600x128xi32, #tpu.memory_space<hbm>> -> memref<5x128xi32, #tpu.memory_space<hbm>>
      tpu.wait_dma2 semaphore(%arg10 : memref<!tpu.dma_semaphore, #tpu.memory_space<semaphore_mem>>) src(%dma_wait3A_85 : memref<5x128xi32, #tpu.memory_space<hbm>>) dst(%arg6 : memref<5x128xi32, #tpu.memory_space<vmem>>)
      %gt3A = arith.constant 0 : i32
      %gt3A_86 = arith.cmpi sgt, %scan3A_77, %gt3A : i32
      %convert_element_type3A = arith.extui %gt3A_86 : i1 to i32
      %cond3A = arith.constant 0 : i32
      %cond3A_87 = arith.cmpi ne, %convert_element_type3A, %cond3A : i32
      scf.if %cond3A_87 {
        %dma_wait3A_188 = arith.constant 0 : i32
        %dma_wait3A_189 = arith.constant 0 : i32
        %dma_wait3A_190 = tpu.memref_slice %arg3[%dma_wait3A_188, %dma_wait3A_189] : memref<1000000x64xf32, #tpu.memory_space<hbm>> -> memref<640x64xf32, #tpu.memory_space<hbm>>
        %dma_wait3A_191 = arith.constant 0 : i32
        %dma_wait3A_192 = arith.constant 0 : i32
        %dma_wait3A_193 = tpu.memref_slice %arg3[%dma_wait3A_191, %dma_wait3A_192] : memref<1000000x64xf32, #tpu.memory_space<hbm>> -> memref<640x64xf32, #tpu.memory_space<hbm>>
        tpu.wait_dma2 semaphore(%arg14 : memref<!tpu.dma_semaphore, #tpu.memory_space<semaphore_mem>>) src(%dma_wait3A_193 : memref<640x64xf32, #tpu.memory_space<hbm>>) dst(%arg8 : memref<640x64xf32, #tpu.memory_space<vmem>>)
      } else {
      }
      %dma_start3A_88 = arith.constant 0 : i32
      %dma_start3A_89 = arith.constant 0 : i32
      %dma_start3A_90 = arith.constant 0 : i32
      %dma_start3A_91 = tpu.memref_slice %arg8[%dma_start3A_89, %dma_start3A_90] : memref<640x64xf32, #tpu.memory_space<vmem>> -> memref<128x64xf32, #tpu.memory_space<vmem>>
      %dma_start3A_92 = arith.constant 0 : i32
      %dma_start3A_93 = tpu.memref_slice %arg6[%dma_start3A_88, %dma_start3A_92] : memref<5x128xi32, #tpu.memory_space<vmem>> -> memref<1x128xi32, #tpu.memory_space<vmem>>
      %dma_start3A_94 = tpu.memref_squeeze %dma_start3A_93 : memref<1x128xi32, #tpu.memory_space<vmem>> -> memref<128xi32, #tpu.memory_space<vmem>>
      %dma_start3A_95 = arith.constant 0 : i32
      %dma_start3A_96 = arith.constant 0 : i32
      %dma_start3A_97 = tpu.memref_slice %arg3[%dma_start3A_95, %dma_start3A_96] : memref<1000000x64xf32, #tpu.memory_space<hbm>> -> memref<1000000x64xf32, #tpu.memory_space<hbm>>
      tpu.enqueue_indirect_dma source(%dma_start3A_97 : memref<1000000x64xf32, #tpu.memory_space<hbm>>) target(%dma_start3A_91 : memref<128x64xf32, #tpu.memory_space<vmem>>) offsets(%dma_start3A_94 : memref<128xi32, #tpu.memory_space<vmem>>) semaphore(%arg12 : memref<!tpu.dma_semaphore, #tpu.memory_space<semaphore_mem>>)
      %dma_start3A_98 = arith.constant 1 : i32
      %dma_start3A_99 = arith.constant 128 : i32
      %dma_start3A_100 = arith.constant 0 : i32
      %dma_start3A_101 = tpu.memref_slice %arg8[%dma_start3A_99, %dma_start3A_100] : memref<640x64xf32, #tpu.memory_space<vmem>> -> memref<128x64xf32, #tpu.memory_space<vmem>>
      %dma_start3A_102 = arith.constant 0 : i32
      %dma_start3A_103 = tpu.memref_slice %arg6[%dma_start3A_98, %dma_start3A_102] : memref<5x128xi32, #tpu.memory_space<vmem>> -> memref<1x128xi32, #tpu.memory_space<vmem>>
      %dma_start3A_104 = tpu.memref_squeeze %dma_start3A_103 : memref<1x128xi32, #tpu.memory_space<vmem>> -> memref<128xi32, #tpu.memory_space<vmem>>
      %dma_start3A_105 = arith.constant 0 : i32
      %dma_start3A_106 = arith.constant 0 : i32
      %dma_start3A_107 = tpu.memref_slice %arg3[%dma_start3A_105, %dma_start3A_106] : memref<1000000x64xf32, #tpu.memory_space<hbm>> -> memref<1000000x64xf32, #tpu.memory_space<hbm>>
      tpu.enqueue_indirect_dma source(%dma_start3A_107 : memref<1000000x64xf32, #tpu.memory_space<hbm>>) target(%dma_start3A_101 : memref<128x64xf32, #tpu.memory_space<vmem>>) offsets(%dma_start3A_104 : memref<128xi32, #tpu.memory_space<vmem>>) semaphore(%arg12 : memref<!tpu.dma_semaphore, #tpu.memory_space<semaphore_mem>>)
      %dma_start3A_108 = arith.constant 2 : i32
      %dma_start3A_109 = arith.constant 256 : i32
      %dma_start3A_110 = arith.constant 0 : i32
      %dma_start3A_111 = tpu.memref_slice %arg8[%dma_start3A_109, %dma_start3A_110] : memref<640x64xf32, #tpu.memory_space<vmem>> -> memref<128x64xf32, #tpu.memory_space<vmem>>
      %dma_start3A_112 = arith.constant 0 : i32
      %dma_start3A_113 = tpu.memref_slice %arg6[%dma_start3A_108, %dma_start3A_112] : memref<5x128xi32, #tpu.memory_space<vmem>> -> memref<1x128xi32, #tpu.memory_space<vmem>>
      %dma_start3A_114 = tpu.memref_squeeze %dma_start3A_113 : memref<1x128xi32, #tpu.memory_space<vmem>> -> memref<128xi32, #tpu.memory_space<vmem>>
      %dma_start3A_115 = arith.constant 0 : i32
      %dma_start3A_116 = arith.constant 0 : i32
      %dma_start3A_117 = tpu.memref_slice %arg3[%dma_start3A_115, %dma_start3A_116] : memref<1000000x64xf32, #tpu.memory_space<hbm>> -> memref<1000000x64xf32, #tpu.memory_space<hbm>>
      tpu.enqueue_indirect_dma source(%dma_start3A_117 : memref<1000000x64xf32, #tpu.memory_space<hbm>>) target(%dma_start3A_111 : memref<128x64xf32, #tpu.memory_space<vmem>>) offsets(%dma_start3A_114 : memref<128xi32, #tpu.memory_space<vmem>>) semaphore(%arg12 : memref<!tpu.dma_semaphore, #tpu.memory_space<semaphore_mem>>)
      %dma_start3A_118 = arith.constant 3 : i32
      %dma_start3A_119 = arith.constant 384 : i32
      %dma_start3A_120 = arith.constant 0 : i32
      %dma_start3A_121 = tpu.memref_slice %arg8[%dma_start3A_119, %dma_start3A_120] : memref<640x64xf32, #tpu.memory_space<vmem>> -> memref<128x64xf32, #tpu.memory_space<vmem>>
      %dma_start3A_122 = arith.constant 0 : i32
      %dma_start3A_123 = tpu.memref_slice %arg6[%dma_start3A_118, %dma_start3A_122] : memref<5x128xi32, #tpu.memory_space<vmem>> -> memref<1x128xi32, #tpu.memory_space<vmem>>
      %dma_start3A_124 = tpu.memref_squeeze %dma_start3A_123 : memref<1x128xi32, #tpu.memory_space<vmem>> -> memref<128xi32, #tpu.memory_space<vmem>>
      %dma_start3A_125 = arith.constant 0 : i32
      %dma_start3A_126 = arith.constant 0 : i32
      %dma_start3A_127 = tpu.memref_slice %arg3[%dma_start3A_125, %dma_start3A_126] : memref<1000000x64xf32, #tpu.memory_space<hbm>> -> memref<1000000x64xf32, #tpu.memory_space<hbm>>
      tpu.enqueue_indirect_dma source(%dma_start3A_127 : memref<1000000x64xf32, #tpu.memory_space<hbm>>) target(%dma_start3A_121 : memref<128x64xf32, #tpu.memory_space<vmem>>) offsets(%dma_start3A_124 : memref<128xi32, #tpu.memory_space<vmem>>) semaphore(%arg12 : memref<!tpu.dma_semaphore, #tpu.memory_space<semaphore_mem>>)
      %dma_start3A_128 = arith.constant 4 : i32
      %dma_start3A_129 = arith.constant 512 : i32
      %dma_start3A_130 = arith.constant 0 : i32
      %dma_start3A_131 = tpu.memref_slice %arg8[%dma_start3A_129, %dma_start3A_130] : memref<640x64xf32, #tpu.memory_space<vmem>> -> memref<128x64xf32, #tpu.memory_space<vmem>>
      %dma_start3A_132 = arith.constant 0 : i32
      %dma_start3A_133 = tpu.memref_slice %arg6[%dma_start3A_128, %dma_start3A_132] : memref<5x128xi32, #tpu.memory_space<vmem>> -> memref<1x128xi32, #tpu.memory_space<vmem>>
      %dma_start3A_134 = tpu.memref_squeeze %dma_start3A_133 : memref<1x128xi32, #tpu.memory_space<vmem>> -> memref<128xi32, #tpu.memory_space<vmem>>
      %dma_start3A_135 = arith.constant 0 : i32
      %dma_start3A_136 = arith.constant 0 : i32
      %dma_start3A_137 = tpu.memref_slice %arg3[%dma_start3A_135, %dma_start3A_136] : memref<1000000x64xf32, #tpu.memory_space<hbm>> -> memref<1000000x64xf32, #tpu.memory_space<hbm>>
      tpu.enqueue_indirect_dma source(%dma_start3A_137 : memref<1000000x64xf32, #tpu.memory_space<hbm>>) target(%dma_start3A_131 : memref<128x64xf32, #tpu.memory_space<vmem>>) offsets(%dma_start3A_134 : memref<128xi32, #tpu.memory_space<vmem>>) semaphore(%arg12 : memref<!tpu.dma_semaphore, #tpu.memory_space<semaphore_mem>>)
      %dma_wait3A_138 = arith.constant 0 : i32
      %dma_wait3A_139 = arith.constant 0 : i32
      %dma_wait3A_140 = tpu.memref_slice %arg3[%dma_wait3A_138, %dma_wait3A_139] : memref<1000000x64xf32, #tpu.memory_space<hbm>> -> memref<640x64xf32, #tpu.memory_space<hbm>>
      %dma_wait3A_141 = arith.constant 0 : i32
      %dma_wait3A_142 = arith.constant 0 : i32
      %dma_wait3A_143 = tpu.memref_slice %arg3[%dma_wait3A_141, %dma_wait3A_142] : memref<1000000x64xf32, #tpu.memory_space<hbm>> -> memref<640x64xf32, #tpu.memory_space<hbm>>
      tpu.wait_dma2 semaphore(%arg11 : memref<!tpu.dma_semaphore, #tpu.memory_space<semaphore_mem>>) src(%dma_wait3A_143 : memref<640x64xf32, #tpu.memory_space<hbm>>) dst(%arg7 : memref<640x64xf32, #tpu.memory_space<vmem>>)
      %mul3A_144 = arith.constant 5 : i32
      %mul3A_145 = arith.muli %mul3A_79, %mul3A_144 : i32
      %add3A_146 = arith.addi %mul3A_2, %mul3A_145 : i32
      %mul3A_147 = arith.constant 128 : i32
      %mul3A_148 = arith.muli %add3A_146, %mul3A_147 : i32
      %dma_start3A_149 = arith.constant 0 : i32
      %dma_start3A_150 = tpu.memref_slice %arg4[%mul3A_148, %dma_start3A_149] : memref<3276800x128xf32, #tpu.memory_space<hbm>> -> memref<640x64xf32, #tpu.memory_space<hbm>>
      %dma_start3A_151 = arith.constant 0 : i32
      %dma_start3A_152 = tpu.memref_slice %arg4[%mul3A_148, %dma_start3A_151] : memref<3276800x128xf32, #tpu.memory_space<hbm>> -> memref<640x64xf32, #tpu.memory_space<hbm>>
      tpu.enqueue_dma source(%arg7 : memref<640x64xf32, #tpu.memory_space<vmem>>) target(%dma_start3A_152 : memref<640x64xf32, #tpu.memory_space<hbm>>) target_semaphore(%arg13 : memref<!tpu.dma_semaphore, #tpu.memory_space<semaphore_mem>>)
      %lt3A = arith.constant 79 : i32
      %lt3A_153 = arith.cmpi slt, %scan3A_77, %lt3A : i32
      %convert_element_type3A_154 = arith.extui %lt3A_153 : i1 to i32
      %cond3A_155 = arith.constant 0 : i32
      %cond3A_156 = arith.cmpi ne, %convert_element_type3A_154, %cond3A_155 : i32
      scf.if %cond3A_156 {
        %add3A_188 = arith.constant 2 : i32
        %add3A_189 = arith.addi %mul3A_79, %add3A_188 : i32
        %mul3A_190 = arith.constant 5 : i32
        %mul3A_191 = arith.muli %add3A_189, %mul3A_190 : i32
        %add3A_192 = arith.addi %mul3A_2, %mul3A_191 : i32
        %dma_start3A_193 = arith.constant 0 : i32
        %dma_start3A_194 = tpu.memref_slice %arg2[%add3A_192, %dma_start3A_193] : memref<25600x128xi32, #tpu.memory_space<hbm>> -> memref<5x128xi32, #tpu.memory_space<hbm>>
        %dma_start3A_195 = arith.constant 0 : i32
        %dma_start3A_196 = tpu.memref_slice %arg2[%add3A_192, %dma_start3A_195] : memref<25600x128xi32, #tpu.memory_space<hbm>> -> memref<5x128xi32, #tpu.memory_space<hbm>>
        tpu.enqueue_dma source(%dma_start3A_196 : memref<5x128xi32, #tpu.memory_space<hbm>>) target(%arg5 : memref<5x128xi32, #tpu.memory_space<vmem>>) target_semaphore(%arg9 : memref<!tpu.dma_semaphore, #tpu.memory_space<semaphore_mem>>)
      } else {
      }
      %dma_wait3A_157 = arith.constant 0 : i32
      %dma_wait3A_158 = arith.constant 0 : i32
      %dma_wait3A_159 = tpu.memref_slice %arg3[%dma_wait3A_157, %dma_wait3A_158] : memref<1000000x64xf32, #tpu.memory_space<hbm>> -> memref<640x64xf32, #tpu.memory_space<hbm>>
      %dma_wait3A_160 = arith.constant 0 : i32
      %dma_wait3A_161 = arith.constant 0 : i32
      %dma_wait3A_162 = tpu.memref_slice %arg3[%dma_wait3A_160, %dma_wait3A_161] : memref<1000000x64xf32, #tpu.memory_space<hbm>> -> memref<640x64xf32, #tpu.memory_space<hbm>>
      tpu.wait_dma2 semaphore(%arg13 : memref<!tpu.dma_semaphore, #tpu.memory_space<semaphore_mem>>) src(%dma_wait3A_162 : memref<640x64xf32, #tpu.memory_space<hbm>>) dst(%arg7 : memref<640x64xf32, #tpu.memory_space<vmem>>)
      %lt3A_163 = arith.constant 79 : i32
      %lt3A_164 = arith.cmpi slt, %scan3A_77, %lt3A_163 : i32
      %convert_element_type3A_165 = arith.extui %lt3A_164 : i1 to i32
      %cond3A_166 = arith.constant 0 : i32
      %cond3A_167 = arith.cmpi ne, %convert_element_type3A_165, %cond3A_166 : i32
      scf.if %cond3A_167 {
        %dma_wait3A_188 = arith.constant 0 : i32
        %dma_wait3A_189 = tpu.memref_slice %arg2[%mul3A_2, %dma_wait3A_188] : memref<25600x128xi32, #tpu.memory_space<hbm>> -> memref<5x128xi32, #tpu.memory_space<hbm>>
        %dma_wait3A_190 = arith.constant 0 : i32
        %dma_wait3A_191 = tpu.memref_slice %arg2[%mul3A_2, %dma_wait3A_190] : memref<25600x128xi32, #tpu.memory_space<hbm>> -> memref<5x128xi32, #tpu.memory_space<hbm>>
        tpu.wait_dma2 semaphore(%arg9 : memref<!tpu.dma_semaphore, #tpu.memory_space<semaphore_mem>>) src(%dma_wait3A_191 : memref<5x128xi32, #tpu.memory_space<hbm>>) dst(%arg5 : memref<5x128xi32, #tpu.memory_space<vmem>>)
        %dma_start3A_192 = arith.constant 0 : i32
        %dma_start3A_193 = arith.constant 0 : i32
        %dma_start3A_194 = arith.constant 0 : i32
        %dma_start3A_195 = tpu.memref_slice %arg7[%dma_start3A_193, %dma_start3A_194] : memref<640x64xf32, #tpu.memory_space<vmem>> -> memref<128x64xf32, #tpu.memory_space<vmem>>
        %dma_start3A_196 = arith.constant 0 : i32
        %dma_start3A_197 = tpu.memref_slice %arg5[%dma_start3A_192, %dma_start3A_196] : memref<5x128xi32, #tpu.memory_space<vmem>> -> memref<1x128xi32, #tpu.memory_space<vmem>>
        %dma_start3A_198 = tpu.memref_squeeze %dma_start3A_197 : memref<1x128xi32, #tpu.memory_space<vmem>> -> memref<128xi32, #tpu.memory_space<vmem>>
        %dma_start3A_199 = arith.constant 0 : i32
        %dma_start3A_200 = arith.constant 0 : i32
        %dma_start3A_201 = tpu.memref_slice %arg3[%dma_start3A_199, %dma_start3A_200] : memref<1000000x64xf32, #tpu.memory_space<hbm>> -> memref<1000000x64xf32, #tpu.memory_space<hbm>>
        tpu.enqueue_indirect_dma source(%dma_start3A_201 : memref<1000000x64xf32, #tpu.memory_space<hbm>>) target(%dma_start3A_195 : memref<128x64xf32, #tpu.memory_space<vmem>>) offsets(%dma_start3A_198 : memref<128xi32, #tpu.memory_space<vmem>>) semaphore(%arg11 : memref<!tpu.dma_semaphore, #tpu.memory_space<semaphore_mem>>)
        %dma_start3A_202 = arith.constant 1 : i32
        %dma_start3A_203 = arith.constant 128 : i32
        %dma_start3A_204 = arith.constant 0 : i32
        %dma_start3A_205 = tpu.memref_slice %arg7[%dma_start3A_203, %dma_start3A_204] : memref<640x64xf32, #tpu.memory_space<vmem>> -> memref<128x64xf32, #tpu.memory_space<vmem>>
        %dma_start3A_206 = arith.constant 0 : i32
        %dma_start3A_207 = tpu.memref_slice %arg5[%dma_start3A_202, %dma_start3A_206] : memref<5x128xi32, #tpu.memory_space<vmem>> -> memref<1x128xi32, #tpu.memory_space<vmem>>
        %dma_start3A_208 = tpu.memref_squeeze %dma_start3A_207 : memref<1x128xi32, #tpu.memory_space<vmem>> -> memref<128xi32, #tpu.memory_space<vmem>>
        %dma_start3A_209 = arith.constant 0 : i32
        %dma_start3A_210 = arith.constant 0 : i32
        %dma_start3A_211 = tpu.memref_slice %arg3[%dma_start3A_209, %dma_start3A_210] : memref<1000000x64xf32, #tpu.memory_space<hbm>> -> memref<1000000x64xf32, #tpu.memory_space<hbm>>
        tpu.enqueue_indirect_dma source(%dma_start3A_211 : memref<1000000x64xf32, #tpu.memory_space<hbm>>) target(%dma_start3A_205 : memref<128x64xf32, #tpu.memory_space<vmem>>) offsets(%dma_start3A_208 : memref<128xi32, #tpu.memory_space<vmem>>) semaphore(%arg11 : memref<!tpu.dma_semaphore, #tpu.memory_space<semaphore_mem>>)
        %dma_start3A_212 = arith.constant 2 : i32
        %dma_start3A_213 = arith.constant 256 : i32
        %dma_start3A_214 = arith.constant 0 : i32
        %dma_start3A_215 = tpu.memref_slice %arg7[%dma_start3A_213, %dma_start3A_214] : memref<640x64xf32, #tpu.memory_space<vmem>> -> memref<128x64xf32, #tpu.memory_space<vmem>>
        %dma_start3A_216 = arith.constant 0 : i32
        %dma_start3A_217 = tpu.memref_slice %arg5[%dma_start3A_212, %dma_start3A_216] : memref<5x128xi32, #tpu.memory_space<vmem>> -> memref<1x128xi32, #tpu.memory_space<vmem>>
        %dma_start3A_218 = tpu.memref_squeeze %dma_start3A_217 : memref<1x128xi32, #tpu.memory_space<vmem>> -> memref<128xi32, #tpu.memory_space<vmem>>
        %dma_start3A_219 = arith.constant 0 : i32
        %dma_start3A_220 = arith.constant 0 : i32
        %dma_start3A_221 = tpu.memref_slice %arg3[%dma_start3A_219, %dma_start3A_220] : memref<1000000x64xf32, #tpu.memory_space<hbm>> -> memref<1000000x64xf32, #tpu.memory_space<hbm>>
        tpu.enqueue_indirect_dma source(%dma_start3A_221 : memref<1000000x64xf32, #tpu.memory_space<hbm>>) target(%dma_start3A_215 : memref<128x64xf32, #tpu.memory_space<vmem>>) offsets(%dma_start3A_218 : memref<128xi32, #tpu.memory_space<vmem>>) semaphore(%arg11 : memref<!tpu.dma_semaphore, #tpu.memory_space<semaphore_mem>>)
        %dma_start3A_222 = arith.constant 3 : i32
        %dma_start3A_223 = arith.constant 384 : i32
        %dma_start3A_224 = arith.constant 0 : i32
        %dma_start3A_225 = tpu.memref_slice %arg7[%dma_start3A_223, %dma_start3A_224] : memref<640x64xf32, #tpu.memory_space<vmem>> -> memref<128x64xf32, #tpu.memory_space<vmem>>
        %dma_start3A_226 = arith.constant 0 : i32
        %dma_start3A_227 = tpu.memref_slice %arg5[%dma_start3A_222, %dma_start3A_226] : memref<5x128xi32, #tpu.memory_space<vmem>> -> memref<1x128xi32, #tpu.memory_space<vmem>>
        %dma_start3A_228 = tpu.memref_squeeze %dma_start3A_227 : memref<1x128xi32, #tpu.memory_space<vmem>> -> memref<128xi32, #tpu.memory_space<vmem>>
        %dma_start3A_229 = arith.constant 0 : i32
        %dma_start3A_230 = arith.constant 0 : i32
        %dma_start3A_231 = tpu.memref_slice %arg3[%dma_start3A_229, %dma_start3A_230] : memref<1000000x64xf32, #tpu.memory_space<hbm>> -> memref<1000000x64xf32, #tpu.memory_space<hbm>>
        tpu.enqueue_indirect_dma source(%dma_start3A_231 : memref<1000000x64xf32, #tpu.memory_space<hbm>>) target(%dma_start3A_225 : memref<128x64xf32, #tpu.memory_space<vmem>>) offsets(%dma_start3A_228 : memref<128xi32, #tpu.memory_space<vmem>>) semaphore(%arg11 : memref<!tpu.dma_semaphore, #tpu.memory_space<semaphore_mem>>)
        %dma_start3A_232 = arith.constant 4 : i32
        %dma_start3A_233 = arith.constant 512 : i32
        %dma_start3A_234 = arith.constant 0 : i32
        %dma_start3A_235 = tpu.memref_slice %arg7[%dma_start3A_233, %dma_start3A_234] : memref<640x64xf32, #tpu.memory_space<vmem>> -> memref<128x64xf32, #tpu.memory_space<vmem>>
        %dma_start3A_236 = arith.constant 0 : i32
        %dma_start3A_237 = tpu.memref_slice %arg5[%dma_start3A_232, %dma_start3A_236] : memref<5x128xi32, #tpu.memory_space<vmem>> -> memref<1x128xi32, #tpu.memory_space<vmem>>
        %dma_start3A_238 = tpu.memref_squeeze %dma_start3A_237 : memref<1x128xi32, #tpu.memory_space<vmem>> -> memref<128xi32, #tpu.memory_space<vmem>>
        %dma_start3A_239 = arith.constant 0 : i32
        %dma_start3A_240 = arith.constant 0 : i32
        %dma_start3A_241 = tpu.memref_slice %arg3[%dma_start3A_239, %dma_start3A_240] : memref<1000000x64xf32, #tpu.memory_space<hbm>> -> memref<1000000x64xf32, #tpu.memory_space<hbm>>
        tpu.enqueue_indirect_dma source(%dma_start3A_241 : memref<1000000x64xf32, #tpu.memory_space<hbm>>) target(%dma_start3A_235 : memref<128x64xf32, #tpu.memory_space<vmem>>) offsets(%dma_start3A_238 : memref<128xi32, #tpu.memory_space<vmem>>) semaphore(%arg11 : memref<!tpu.dma_semaphore, #tpu.memory_space<semaphore_mem>>)
      } else {
      }
      %dma_wait3A_168 = arith.constant 0 : i32
      %dma_wait3A_169 = arith.constant 0 : i32
      %dma_wait3A_170 = tpu.memref_slice %arg3[%dma_wait3A_168, %dma_wait3A_169] : memref<1000000x64xf32, #tpu.memory_space<hbm>> -> memref<640x64xf32, #tpu.memory_space<hbm>>
      %dma_wait3A_171 = arith.constant 0 : i32
      %dma_wait3A_172 = arith.constant 0 : i32
      %dma_wait3A_173 = tpu.memref_slice %arg3[%dma_wait3A_171, %dma_wait3A_172] : memref<1000000x64xf32, #tpu.memory_space<hbm>> -> memref<640x64xf32, #tpu.memory_space<hbm>>
      tpu.wait_dma2 semaphore(%arg12 : memref<!tpu.dma_semaphore, #tpu.memory_space<semaphore_mem>>) src(%dma_wait3A_173 : memref<640x64xf32, #tpu.memory_space<hbm>>) dst(%arg8 : memref<640x64xf32, #tpu.memory_space<vmem>>)
      %mul3A_174 = arith.constant 5 : i32
      %mul3A_175 = arith.muli %add3A_81, %mul3A_174 : i32
      %add3A_176 = arith.addi %mul3A_2, %mul3A_175 : i32
      %mul3A_177 = arith.constant 128 : i32
      %mul3A_178 = arith.muli %add3A_176, %mul3A_177 : i32
      %dma_start3A_179 = arith.constant 0 : i32
      %dma_start3A_180 = tpu.memref_slice %arg4[%mul3A_178, %dma_start3A_179] : memref<3276800x128xf32, #tpu.memory_space<hbm>> -> memref<640x64xf32, #tpu.memory_space<hbm>>
      %dma_start3A_181 = arith.constant 0 : i32
      %dma_start3A_182 = tpu.memref_slice %arg4[%mul3A_178, %dma_start3A_181] : memref<3276800x128xf32, #tpu.memory_space<hbm>> -> memref<640x64xf32, #tpu.memory_space<hbm>>
      tpu.enqueue_dma source(%arg8 : memref<640x64xf32, #tpu.memory_space<vmem>>) target(%dma_start3A_182 : memref<640x64xf32, #tpu.memory_space<hbm>>) target_semaphore(%arg14 : memref<!tpu.dma_semaphore, #tpu.memory_space<semaphore_mem>>)
      %lt3A_183 = arith.constant 79 : i32
      %lt3A_184 = arith.cmpi slt, %scan3A_77, %lt3A_183 : i32
      %convert_element_type3A_185 = arith.extui %lt3A_184 : i1 to i32
      %cond3A_186 = arith.constant 0 : i32
      %cond3A_187 = arith.cmpi ne, %convert_element_type3A_185, %cond3A_186 : i32
      scf.if %cond3A_187 {
        %add3A_188 = arith.constant 2 : i32
        %add3A_189 = arith.addi %add3A_81, %add3A_188 : i32
        %mul3A_190 = arith.constant 5 : i32
        %mul3A_191 = arith.muli %add3A_189, %mul3A_190 : i32
        %add3A_192 = arith.addi %mul3A_2, %mul3A_191 : i32
        %dma_start3A_193 = arith.constant 0 : i32
        %dma_start3A_194 = tpu.memref_slice %arg2[%add3A_192, %dma_start3A_193] : memref<25600x128xi32, #tpu.memory_space<hbm>> -> memref<5x128xi32, #tpu.memory_space<hbm>>
        %dma_start3A_195 = arith.constant 0 : i32
        %dma_start3A_196 = tpu.memref_slice %arg2[%add3A_192, %dma_start3A_195] : memref<25600x128xi32, #tpu.memory_space<hbm>> -> memref<5x128xi32, #tpu.memory_space<hbm>>
        tpu.enqueue_dma source(%dma_start3A_196 : memref<5x128xi32, #tpu.memory_space<hbm>>) target(%arg6 : memref<5x128xi32, #tpu.memory_space<vmem>>) target_semaphore(%arg10 : memref<!tpu.dma_semaphore, #tpu.memory_space<semaphore_mem>>)
      } else {
      }
    }
    %scan3A_70 = arith.constant 80 : i32
    %dma_wait3A_71 = arith.constant 0 : i32
    %dma_wait3A_72 = arith.constant 0 : i32
    %dma_wait3A_73 = tpu.memref_slice %arg3[%dma_wait3A_71, %dma_wait3A_72] : memref<1000000x64xf32, #tpu.memory_space<hbm>> -> memref<640x64xf32, #tpu.memory_space<hbm>>
    %dma_wait3A_74 = arith.constant 0 : i32
    %dma_wait3A_75 = arith.constant 0 : i32
    %dma_wait3A_76 = tpu.memref_slice %arg3[%dma_wait3A_74, %dma_wait3A_75] : memref<1000000x64xf32, #tpu.memory_space<hbm>> -> memref<640x64xf32, #tpu.memory_space<hbm>>
    tpu.wait_dma2 semaphore(%arg14 : memref<!tpu.dma_semaphore, #tpu.memory_space<semaphore_mem>>) src(%dma_wait3A_76 : memref<640x64xf32, #tpu.memory_space<hbm>>) dst(%arg8 : memref<640x64xf32, #tpu.memory_space<vmem>>)
    return
  }
}

</mosaic_0001>

<sc_bundles>
// kernel: kernel.3.cloned.1.call-start
scs
__scs_entry_jumppad:
0x0: {  	(pc) =	sbr.rel $0x88, $3  }
0x1: {  	(tag) =	ssettag $0x0;
	lr =	simm.s32 $0x1  }
0x2: {  	[smem:$0x3F9F] =	sst lr;
	_ =	strace $0xD0000000  }
0x3: {  	_ = 	snop  }
0x4: {  	_ = 	snop  }
0x5: {  	_ = 	snop  }
0x6: {  	_ = 	snop  }
0x7: {  	_ = 	snop  }
__scs_overlays_trampoline_lowered:
0x8: {  	[smem:$0x3FAE] =	sst s0  }
0x9: {  	[smem:$0x3FAF] =	sst s1  }
0xa: {  	[smem:$0x3FB0] =	sst s2  }
0xb: {  	[smem:$0x3FB1] =	sst s3  }
0xc: {  	[smem:$0x3FB2] =	sst s4  }
0xd: {  	[smem:$0x3FB3] =	sst s5  }
0xe: {  	[smem:$0x3FB4] =	sst s6  }
0xf: {  	[smem:$0x3FB5] =	sst s7  }
0x10: {  	[smem:$0x3FB6] =	sst s8  }
0x11: {  	[smem:$0x3FB7] =	sst s9;
	s0 =	simm.s32 @!p0 $0x0  }
0x12: {  	s1 =	sld [smem:$0x3F9D];
	s0 =	simm.s32 @p0 $0x1  }
0x13: {  	[smem:$0x3FB8] =	sst s0;
	s0 =	simm.s32 @!p1 $0x0  }
0x14: {  	s2 =	sld [smem:$0x3F9C];
	s0 =	simm.s32 @p1 $0x1  }
0x15: {  	[smem:$0x3FB9] =	sst s0;
	s0 =	simm.s32 @!p2 $0x0  }
0x16: {  	s3 =	sld [smem:$0x3FDB];
	s0 =	simm.s32 @p2 $0x1  }
0x17: {  	s4 =	simm.s32 $0x1BF5;
	[smem:$0x3FBB] =	sst s0  }
0x18: {  	s0 =	sld [smem:$0x3F9E];
	_ =	swait.ge [sflag:s4], $0x0  }
0x19: {  	s7 =	sld [smem:$0x3F9F]  }
0x1a: {  	s8 =	sadd.s32 $0xFFFFE003, lr  }
0x1b: {  	s9 =	sadd.s32 $0xFFFFFEF7, lr;
	s5 =	simm.s32 $0xFFFFFFFF;
	p2 =	slt.u32 s8, $0xFFFFF086  }
0x1c: {  	p1 =	slt.u32 s9, $0xF7A;
	s5 =	simm.s32 @!p2 $0x0  }
0x1d: {  	s5 =	simm.s32 @p1 $0x1;
	p0 =	seq.s32 s7, s2  }
0x1e: {  	s7 =	smul.u32 @!p0 $0xF7A, s2;
	p2 =	seq.s32 @!p0 s5, $0x0  }
0x1f: {  	s9 =	smul.u32 $0xF7A, s1;
	s8 =	simm.s32 @!p0 $0x1BF5;
	p2 =	por !p2, p0  }
0x20: {  	[sflag:s8] =	ssyncset.s32 @!p0 $0xFFFFF086;
	s6 =	sadd.s32 @!p0 s3, s7;
	s7 =	simm.s32 @!p0 $0x108  }
0x21: {  	s3 =	sadd.s32 s3, s9;
	s6 =	sadd.s32 @!p0 $0x88, s6;
	s7 =	simm.s32 @p2 $0x1082  }
0x22: {  	[simem:s7], [sflag:s8] =	dma.local @!p0 [hbm:s6], $0xF7A  }
0x23: {  	s9 =	sor.u32 $0xD0000000, s2;
	s6 =	simm.s32 $0x108;
	_ =	swait.ge @!p0 [sflag:s8], $0x0  }
0x24: {  	s3 =	sadd.s32 $0x88, s3;
	s6 =	simm.s32 @!p1 $0x1082;
	[sflag:s4] =	ssyncset.s32 $0xFFFFF086  }
0x25: {  	[simem:s6], [sflag:s4] =	dma.local [hbm:s3], $0xF7A  }
0x26: {  	[smem:$0x3F9F] =	sst s1;
	(tag) =	ssettag s2;
	_ =	strace s9  }
0x27: {  	s1 =	sld [smem:$0x3FAF]  }
0x28: {  	s2 =	sld [smem:$0x3FB0]  }
0x29: {  	s4 =	sld [smem:$0x3FB2]  }
0x2a: {  	p0 =	seq.s32 s5, $0x0;
	s5 =	sld [smem:$0x3FB3]  }
0x2b: {  	s6 =	sld [smem:$0x3FB4]  }
0x2c: {  	s7 =	sld [smem:$0x3FB5]  }
0x2d: {  	s3 =	simm.s32 $0x108;
	s8 =	sld [smem:$0x3FB6]  }
0x2e: {  	s3 =	simm.s32 @!p0 $0x1082;
	s9 =	sld [smem:$0x3FB7]  }
0x2f: {  	lr =	sadd.s32 s0, s3;
	s0 =	sld [smem:$0x3FAE]  }
0x30: {  	s3 =	sld [smem:$0x3FB1]  }
0x31: {  	[smem:$0x3FBA] =	sst s10  }
0x32: {  	s10 =	sld [smem:$0x3FB8];
	_ =	sdelay $0x3  }
0x33: {  	p0 =	seq.s32 s10, $0x1;
	s10 =	sld [smem:$0x3FBA];
	_ =	sdelay $0x3  }
0x34: {  	[smem:$0x3FBA] =	sst s10  }
0x35: {  	s10 =	sld [smem:$0x3FB9];
	_ =	sdelay $0x3  }
0x36: {  	p1 =	seq.s32 s10, $0x1;
	s10 =	sld [smem:$0x3FBA];
	_ =	sdelay $0x3  }
0x37: {  	[smem:$0x3FBA] =	sst s10  }
0x38: {  	s10 =	sld [smem:$0x3FBB]  }
0x39: {  	_ = 	snop;
	(pc) =	sbr.ind lr, $3  }
0x3a: {  	_ = 	snop  }
0x3b: {  	_ = 	snop  }
0x3c: {  	p2 =	seq.s32 s10, $0x1;
	s10 =	sld [smem:$0x3FBA]  }
0x3d: {  	_ =	shalt  }
0x3e: {  	_ =	shalt  }
0x3f: {  	_ =	shalt  }
0x40: {  	_ =	shalt  }
0x41: {  	_ =	shalt  }
0x42: {  	_ =	shalt  }
0x43: {  	_ =	shalt  }
0x44: {  	_ =	shalt  }
0x45: {  	_ =	shalt  }
0x46: {  	_ =	shalt  }
0x47: {  	_ =	shalt  }
0x48: {  	_ =	shalt  }
0x49: {  	_ =	shalt  }
0x4a: {  	_ =	shalt  }
0x4b: {  	_ =	shalt  }
0x4c: {  	_ =	shalt  }
0x4d: {  	_ =	shalt  }
0x4e: {  	_ =	shalt  }
0x4f: {  	_ =	shalt  }
0x50: {  	_ =	shalt  }
0x51: {  	_ =	shalt  }
0x52: {  	_ =	shalt  }
0x53: {  	_ =	shalt  }
0x54: {  	_ =	shalt  }
0x55: {  	_ =	shalt  }
0x56: {  	_ =	shalt  }
0x57: {  	_ =	shalt  }
0x58: {  	_ =	shalt  }
0x59: {  	_ =	shalt  }
0x5a: {  	_ =	shalt  }
0x5b: {  	_ =	shalt  }
0x5c: {  	_ =	shalt  }
0x5d: {  	_ =	shalt  }
0x5e: {  	_ =	shalt  }
0x5f: {  	_ =	shalt  }
0x60: {  	_ =	shalt  }
0x61: {  	_ =	shalt  }
0x62: {  	_ =	shalt  }
0x63: {  	_ =	shalt  }
0x64: {  	_ =	shalt  }
0x65: {  	_ =	shalt  }
0x66: {  	_ =	shalt  }
0x67: {  	_ =	shalt  }
0x68: {  	_ =	shalt  }
0x69: {  	_ =	shalt  }
0x6a: {  	_ =	shalt  }
0x6b: {  	_ =	shalt  }
0x6c: {  	_ =	shalt  }
0x6d: {  	_ =	shalt  }
0x6e: {  	_ =	shalt  }
0x6f: {  	_ =	shalt  }
0x70: {  	_ =	shalt  }
0x71: {  	_ =	shalt  }
0x72: {  	_ =	shalt  }
0x73: {  	_ =	shalt  }
0x74: {  	_ =	shalt  }
0x75: {  	_ =	shalt  }
0x76: {  	_ =	shalt  }
0x77: {  	_ =	shalt  }
0x78: {  	_ =	shalt  }
0x79: {  	_ =	shalt  }
0x7a: {  	_ =	shalt  }
0x7b: {  	_ =	shalt  }
0x7c: {  	_ =	shalt  }
0x7d: {  	_ =	shalt  }
0x7e: {  	_ =	shalt  }
0x7f: {  	_ =	shalt  }
0x80: {  	_ =	shalt  }
0x81: {  	_ =	shalt  }
0x82: {  	_ =	shalt  }
0x83: {  	_ =	shalt  }
0x84: {  	_ =	shalt  }
0x85: {  	_ =	shalt  }
0x86: {  	_ =	shalt  }
0x87: {  	_ =	shalt  }
.Lfunc_end0:
.L_simem_size_0:
called_computation.1_lowered:
.L_overlay_start_0:
0x88: {  	s2 =	sld [smem:$0x3FD9]  }
0x89: {  	s3 =	sld [smem:$0x3FFE];
	_ =	sdelay $0x1  }
0x8a: {  	s1 =	srdreg.scid  }
0x8b: {  	s0 =	sand.u32 $0x1, s1  }
0x8c: {  	s16 =	sshll.u32 s0, $0xA;
	s2 =	sadd.s32 s3, s2  }
0x8d: {  	s2 =	sadd.s32 s2, s16  }
0x8e: {  	[smem:$0x3FC6] =	sst s2  }
0x8f: {  	_ = 	snop  }
0x90: {  	(tm) =	ssettm $0x1  }
0x91: {  	s17 =	sld [smem:$0x3FFB];
	_ =	sdelay $0x3  }
0x92: {  	_ =	strace s17  }
0x93: {  	s2 =	sld [smem:$0x3FFC];
	_ =	sdelay $0x3  }
0x94: {  	_ =	strace s2  }
0x95: {  	s2 =	sld [smem:$0x3FFD];
	_ =	sdelay $0x3  }
0x96: {  	_ =	strace s2  }
0x97: {  	_ =	strace $0x8FFFFFFF  }
0x98: {  	s18 =	sld [smem:$0x3FDB];
	_ =	sdelay $0x1  }
0x99: {  	s19 =	simm.s32 $_scs_section_size  }
0x9a: {  	s4 =	simm.s32 $_size__tile_overlayer_lowered;
	s5 =	simm.s32 $_tile_overlayer_lowered  }
0x9b: {  	s22 =	simm.s32 $0x1BFF;
	s21 =	sshll.u32 s5, $0x1;
	s2 =	sadd.s32 s19, s18  }
0x9c: {  	s6 =	simm.s32 $0x0;
	s20 =	sshll.u32 s4, $0x1;
	s4 =	sadd.s32 s21, s2  }
0x9d: {  	[timem:s6], [sflag:s22] =	dma.local [hbm:s4], s20  }
0x9e: {  	_ =	swait.ge [sflag:s22], s20  }
0x9f: {  	s3 =	ssub.s32 $0x0, s20;
	[sflag:s22] =	ssyncset.done $0x0  }
0xa0: {  	[sflag:s22] =	ssyncadd.s32 s3;
	_ =	sdelay $0x1  }
0xa1: {  	s23 =	simm.s32 $0x1B8B  }
0xa2: {  	_ =	swait.ge [sflag:s23], $0x1  }
0xa3: {  	[sflag:s23] =	ssyncset.done $0x0  }
0xa4: {  	s25 =	simm.s32 $0x1B8E;
	s24 =	sld [smem:$0x3FFE];
	[sflag:s23] =	ssyncadd.s32 $0xFFFFFFFF  }
0xa5: {  	s26 =	simm.s32 $execute0_lowered;
	[smem:$0x3FD2] =	sst s25  }
0xa6: {  	s4 =	sshll.u32 s26, $0x1;
	_ =	strace $0x80000046;
	[dreg:$0x1] =	wrdreg $0xFFFFFFFF  }
0xa7: {  	s28 =	simm.s32 $_size_execute0_lowered;
	s2 =	sadd.s32 s2, s4;
	[dreg:$0x0] =	wrdreg $0x0  }
0xa8: {  	s4 =	sshll.u32 s28, $0x1;
	[dreg:$0x2] =	wrdreg s2  }
0xa9: {  	[dreg:$0x3] =	wrdreg s4  }
0xaa: {  	[dreg:$0x4] =	wrdreg $0xC0  }
0xab: {  	_ =	task [dreg:s6], $0x5FFFF  }
0xac: {  	[dreg:$0x1] =	wrdreg $0xFFFFFFFF  }
0xad: {  	[dreg:$0x0] =	wrdreg $0x60  }
0xae: {  	[dreg:$0x2] =	wrdreg s24  }
0xaf: {  	[dreg:$0x3] =	wrdreg $0x9  }
0xb0: {  	_ =	task.clear_ibuf [dreg:s6], $0x4FFFF;
	_ =	strace $0x90000046  }
0xb1: {  	s29 =	simm.s32 $0x9;
	_ =	strace $0x80000048  }
0xb2: {  	_ =	swait.ge [sflag:s29], $0x1  }
0xb3: {  	[sflag:s29] =	ssyncadd.s32 $0xFFFFFFFF  }
0xb4: {  	_ =	strace $0x90000048  }
0xb5: {  	_ =	sfence  }
0xb6: {  	s30 =	sld [smem:$0x0];
	_ =	sdelay $0x2  }
0xb7: {  	s31 =	sshll.u32 s1, $0xD;
	s1 =	sshrl.u32 s1, $0x2  }
0xb8: {  	s3 =	sand.u32 $0x4000, s31;
	s1 =	sadd.s32 s1, s30  }
0xb9: {  	s0 =	sor.u32 s3, s0;
	s1 =	sshll.u32 s1, $0x11  }
0xba: {  	s0 =	sor.u32 s1, s0  }
0xbb: {  	s0 =	sadd.s32 $0x8F2B, s0  }
0xbc: {  	[sflag:s0] =	ssyncadd.remote.s32 $0x1  }
0xbd: {  	_ =	sfence.sel $0xFFFF  }
0xbe: {  	[dreg:$0x0] =	wrdreg $0xFFFFFFFF;
	(pc) =	sbr.abs _section_cstart, $3  }
0xbf: {  	[dreg:$0x1] =	wrdreg $0xFFFFFFFF  }
0xc0: {  	_ =	task.clear_ibuf [dreg:s6], $0x2FFFF;
	_ =	strace $0x9FFFFFFF  }
0xc1: {  	(tm) =	ssettm $0x7FFFFFFF  }
tec
execute0_lowered:
.L_overlay_start_1:
0x0: {  	(tag) =	ssettag $0x1  }
0x1: {  	s0 =	rddreg [dreg:$0x0]  }
0x2: {  	s1 =	srdreg.scid;
	s10 =	stileid.u32  }
0x3: {  	s2 =	simm.s32 $0x0;
	s28 =	simm.s32 $0xA500;
	s29 =	simm.s32 $0x300  }
0x4: {  	s30 =	simm.s32 $0xC500;
	s31 =	simm.s32 $0x380;
	s17 =	smul.u32 $0x640, s10  }
0x5: {  	s12 =	simm.s32 $0x6;
	s1 =	sand.u32 $0x1, s1;
	s23 =	smul.u32 $0x320000, s10  }
0x6: {  	s3 =	sshll.u32 s10, $0x1;
	[smem:$0x7FF] =	sst s2;
	s19 =	smul.u32 $0x320, s1  }
0x7: {  	s4 =	sor.u32 s1, s3;
	s7 =	ssub.s32 $0x2, s1;
	s1 =	smul.u32 $0x190000, s1  }
0x8: {  	s5 =	sadd.s32 $0x800, s0;
	s10 =	simm.s32 $0x4;
	s6 =	smul.u32 $0x3200, s4  }
0x9: {  	_ =	strace $0x80000047;
	s3 =	sadd.s32 $0x64800, s0;
	s9 =	smul.u32 $0x320, s4  }
0xa: {  	s0 =	sadd.s32 $0x805A00, s0;
	s8 =	sshrl.u32 s7, $0x1;
	s4 =	smul.u32 $0x190000, s4  }
0xb: {  	s25 =	sadd.s32 s23, s0;
	s13 =	ssub.s32 s7, s8;
	s22 =	sadd.s32 s19, s17  }
0xc: {  	s1 =	sadd.s32 s1, s25;
	s17 =	simm.s32 $0x500;
	s25 =	simm.s32 $0x280  }
0xd: {  	s7 =	simm.s32 $0x3;
	s8 =	simm.s32 $0x40;
	s11 =	sadd.s32 s5, s6  }
0xe: {  	s15 =	sshll.u32 s9, $0xB;
	s16 =	sshll.u32 s9, $0x4;
	s6 =	smax.u32 s13, $0x1  }
0xf: {  	s4 =	sadd.s32 s0, s4;
	s24 =	sshll.u32 s22, $0x4;
	s26 =	sadd.s32 $0x5000, s1  }
0x10: {  	s1 =	simm.s32 $0x400;
	s9 =	simm.s32 $0x8500;
	[dreg:$0x2] =	wrdreg s11  }
0x11: {  	s14 =	sadd.s32 $0x50, s11;
	[dreg:$0x4] =	wrdreg s6;
	s18 =	sadd.s32 s16, s5  }
0x12: {  	[dreg:$0x5] =	wrdreg s4;
	s21 =	sadd.s32 s15, s0;
	s5 =	sadd.s32 s24, s5  }
0x13: {  	[dreg:$0xa] =	wrdreg s26;
	s15 =	simm.s32 $0x1;
	s16 =	simm.s32 $0x80  }
0x14: {  	s26 =	simm.s32 $0x2;
	s24 =	simm.s32 $0x200;
	[dreg:$0x3] =	wrdreg s14  }
0x15: {  	s20 =	sadd.s32 $0xA0, s18;
	s4 =	sadd.s32 $0x2800, s21;
	s6 =	sadd.s32 $0xF0, s18  }
.Ltmp0:
0x16: {  	s11 =	sadd.s32 $0x190, s5;
	s13 =	sadd.s32 $0x140, s5;
	(pc) =	sbr.rel .LBB2_1-.Ltmp0, $4  }
0x17: {  	s5 =	simm.s32 $0x10500;
	[dreg:$0x7] =	wrdreg s4;
	s4 =	sshll.u32 s22, $0xB  }
0x18: {  	s18 =	simm.s32 $0x0;
	[dreg:$0x6] =	wrdreg s20;
	s0 =	sadd.s32 s4, s0  }
0x19: {  	[dreg:$0x8] =	wrdreg s6;
	s6 =	simm.s32 $0x12500;
	s0 =	sadd.s32 $0x7800, s0  }
0x1a: {  	s4 =	simm.s32 $0x480;
	[dreg:$0x9] =	wrdreg s0;
	s0 =	simm.s32 $0xE500  }
.LBB2_4:
0x1b: {  	_ =	swait.ge [sflag:s12], $0xA000  }
0x1c: {  	s18 =	sadd.s32 $0x1, s18;
	s14 =	rddreg [dreg:$0x4]  }
0x1d: {  	p0 =	sne.s32 s18, s14  }
.Ltmp1:
0x1e: {  	_ = 	snop;
	(pc) =	sbr.rel @!p0 .LBB2_5-.Ltmp1, $3  }
0x1f: {  	_ =	sdelay $0x1  }
0x20: {  	[sflag:s12] =	ssyncset.done $0x0  }
0x21: {  	[sflag:s12] =	ssyncadd.s32 $0xFFFF6000  }
.LBB2_1:
0x22: {  	s14 =	rddreg [dreg:$0x2]  }
0x23: {  	[tilespmem:s2], [sflag:$0x1] =	stream.linear.gather [hbm4b:s14+s2], $0x280, $0x38;
	[tilespmem:$0x14500] =	vst v63  }
0x24: {  	_ =	swait.ge [sflag:s15], $0x280  }
0x25: {  	[sflag:s15] =	ssyncset.done $0x0  }
0x26: {  	[sflag:s15] =	ssyncadd.s32 $0xFFFFFD80  }
0x27: {  	[tilespmem:s17], [sflag:$0x3] =	stream.indirect.gather [hbm4b:s3+s16], $0x40, s2, s16, $0xb8;
	[tilespmem:$0x14500] =	vst v63  }
0x28: {  	s19 =	simm.s32 $0x2500  }
0x29: {  	[tilespmem:s19], [sflag:$0x3] =	stream.indirect.gather [hbm4b:s3+s16], $0x40, s16, s16, $0xb8;
	[tilespmem:$0x14500] =	vst v63  }
0x2a: {  	s20 =	simm.s32 $0x100;
	s21 =	simm.s32 $0x4500  }
0x2b: {  	[tilespmem:s21], [sflag:$0x3] =	stream.indirect.gather [hbm4b:s3+s16], $0x40, s20, s16, $0xb8;
	[tilespmem:$0x14500] =	vst v63  }
0x2c: {  	s22 =	simm.s32 $0x180;
	s23 =	simm.s32 $0x6500  }
0x2d: {  	[tilespmem:s23], [sflag:$0x3] =	stream.indirect.gather [hbm4b:s3+s16], $0x40, s22, s16, $0xb8;
	[tilespmem:$0x14500] =	vst v63  }
0x2e: {  	_ = 	snop  }
0x2f: {  	[tilespmem:s9], [sflag:$0x3] =	stream.indirect.gather [hbm4b:s3+s16], $0x40, s24, s16, $0xb8;
	[tilespmem:$0x14500] =	vst v63  }
0x30: {  	s14 =	rddreg [dreg:$0x3]  }
0x31: {  	[tilespmem:s25], [sflag:$0x2] =	stream.linear.gather [hbm4b:s14+s2], $0x280, $0x38;
	[tilespmem:$0x14500] =	vst v63  }
0x32: {  	_ =	swait.ge [sflag:s26], $0x280  }
0x33: {  	[sflag:s26] =	ssyncset.done $0x0  }
0x34: {  	[sflag:s26] =	ssyncadd.s32 $0xFFFFFD80  }
0x35: {  	[tilespmem:s28], [sflag:$0x4] =	stream.indirect.gather [hbm4b:s3+s16], $0x40, s25, s16, $0xb8;
	[tilespmem:$0x14500] =	vst v63  }
0x36: {  	_ = 	snop  }
0x37: {  	[tilespmem:s30], [sflag:$0x4] =	stream.indirect.gather [hbm4b:s3+s16], $0x40, s29, s16, $0xb8;
	[tilespmem:$0x14500] =	vst v63  }
0x38: {  	_ = 	snop  }
0x39: {  	[tilespmem:s0], [sflag:$0x4] =	stream.indirect.gather [hbm4b:s3+s16], $0x40, s31, s16, $0xb8;
	[tilespmem:$0x14500] =	vst v63  }
0x3a: {  	_ = 	snop  }
0x3b: {  	[tilespmem:s5], [sflag:$0x4] =	stream.indirect.gather [hbm4b:s3+s16], $0x40, s1, s16, $0xb8;
	[tilespmem:$0x14500] =	vst v63  }
0x3c: {  	_ = 	snop  }
0x3d: {  	[tilespmem:s6], [sflag:$0x4] =	stream.indirect.gather [hbm4b:s3+s16], $0x40, s4, s16, $0xb8;
	[tilespmem:$0x14500] =	vst v63  }
0x3e: {  	_ =	swait.ge [sflag:s7], $0xA000  }
0x3f: {  	[sflag:s7] =	ssyncset.done $0x0  }
0x40: {  	s14 =	rddreg [dreg:$0x5];
	[sflag:s7] =	ssyncadd.s32 $0xFFFF6000  }
0x41: {  	[hbm4b:s14+s8] =	stream.strided.scatter [tilespmem:s17], [sflag:$0x5], $0xA000, s16, s8, $0x38;
	[tilespmem:$0x14500] =	vst v63  }
0x42: {  	s14 =	rddreg [dreg:$0x6]  }
0x43: {  	[tilespmem:s2], [sflag:$0x1] =	stream.linear.gather [hbm4b:s14+s2], $0x280, $0x38;
	[tilespmem:$0x14500] =	vst v63  }
0x44: {  	s14 =	simm.s32 $0x5  }
0x45: {  	_ =	swait.ge [sflag:s14], $0xA000  }
0x46: {  	[sflag:s14] =	ssyncset.done $0x0  }
0x47: {  	[sflag:s14] =	ssyncadd.s32 $0xFFFF6000  }
0x48: {  	_ =	swait.ge [sflag:s15], $0x280  }
0x49: {  	[sflag:s15] =	ssyncset.done $0x0  }
0x4a: {  	[sflag:s15] =	ssyncadd.s32 $0xFFFFFD80  }
0x4b: {  	[tilespmem:s17], [sflag:$0x3] =	stream.indirect.gather [hbm4b:s3+s16], $0x40, s2, s16, $0xb8;
	[tilespmem:$0x14500] =	vst v63  }
0x4c: {  	_ = 	snop  }
0x4d: {  	[tilespmem:s19], [sflag:$0x3] =	stream.indirect.gather [hbm4b:s3+s16], $0x40, s16, s16, $0xb8;
	[tilespmem:$0x14500] =	vst v63  }
0x4e: {  	_ = 	snop  }
0x4f: {  	[tilespmem:s21], [sflag:$0x3] =	stream.indirect.gather [hbm4b:s3+s16], $0x40, s20, s16, $0xb8;
	[tilespmem:$0x14500] =	vst v63  }
0x50: {  	_ = 	snop  }
0x51: {  	[tilespmem:s23], [sflag:$0x3] =	stream.indirect.gather [hbm4b:s3+s16], $0x40, s22, s16, $0xb8;
	[tilespmem:$0x14500] =	vst v63  }
0x52: {  	_ = 	snop  }
0x53: {  	[tilespmem:s9], [sflag:$0x3] =	stream.indirect.gather [hbm4b:s3+s16], $0x40, s24, s16, $0xb8;
	[tilespmem:$0x14500] =	vst v63  }
0x54: {  	_ =	swait.ge [sflag:s10], $0xA000  }
0x55: {  	s22 =	rddreg [dreg:$0x7]  }
0x56: {  	[sflag:s10] =	ssyncset.done $0x0;
	s23 =	rddreg [dreg:$0x8]  }
0x57: {  	s14 =	rddreg [dreg:$0xa];
	[sflag:s10] =	ssyncadd.s32 $0xFFFF6000  }
0x58: {  	[hbm4b:s22+s8] =	stream.strided.scatter [tilespmem:s28], [sflag:$0x6], $0xA000, s16, s8, $0x38;
	[tilespmem:$0x14500] =	vst v63  }
0x59: {  	s20 =	simm.s32 $0x0;
	s19 =	rddreg [dreg:$0x9]  }
0x5a: {  	[tilespmem:s25], [sflag:$0x2] =	stream.linear.gather [hbm4b:s23+s2], $0x280, $0x38;
	[tilespmem:$0x14500] =	vst v63  }
.LBB2_2:
0x5b: {  	_ =	swait.ge [sflag:s26], $0x280  }
0x5c: {  	[sflag:s26] =	ssyncset.done $0x0  }
0x5d: {  	[sflag:s26] =	ssyncadd.s32 $0xFFFFFD80  }
0x5e: {  	_ =	swait.ge [sflag:s12], $0xA000  }
0x5f: {  	[sflag:s12] =	ssyncset.done $0x0  }
0x60: {  	[sflag:s12] =	ssyncadd.s32 $0xFFFF6000  }
0x61: {  	[tilespmem:s28], [sflag:$0x4] =	stream.indirect.gather [hbm4b:s3+s16], $0x40, s25, s16, $0xb8;
	[tilespmem:$0x14500] =	vst v63  }
0x62: {  	_ = 	snop  }
0x63: {  	[tilespmem:s30], [sflag:$0x4] =	stream.indirect.gather [hbm4b:s3+s16], $0x40, s29, s16, $0xb8;
	[tilespmem:$0x14500] =	vst v63  }
0x64: {  	_ = 	snop  }
0x65: {  	[tilespmem:s0], [sflag:$0x4] =	stream.indirect.gather [hbm4b:s3+s16], $0x40, s31, s16, $0xb8;
	[tilespmem:$0x14500] =	vst v63  }
0x66: {  	_ = 	snop  }
0x67: {  	[tilespmem:s5], [sflag:$0x4] =	stream.indirect.gather [hbm4b:s3+s16], $0x40, s1, s16, $0xb8;
	[tilespmem:$0x14500] =	vst v63  }
0x68: {  	_ = 	snop  }
0x69: {  	[tilespmem:s6], [sflag:$0x4] =	stream.indirect.gather [hbm4b:s3+s16], $0x40, s4, s16, $0xb8;
	[tilespmem:$0x14500] =	vst v63  }
0x6a: {  	_ =	swait.ge [sflag:s7], $0xA000  }
0x6b: {  	p0 =	seq.s32 s20, $0x30C0;
	[sflag:s7] =	ssyncset.done $0x0  }
0x6c: {  	s21 =	simm.s32 @p0 $0x5;
	[sflag:s7] =	ssyncadd.s32 $0xFFFF6000  }
0x6d: {  	[hbm4b:s14+s8] =	stream.strided.scatter [tilespmem:s17], [sflag:$0x5], $0xA000, s16, s8, $0x38;
	[tilespmem:$0x14500] =	vst v63  }
0x6e: {  	_ =	swait.ge @p0 [sflag:s21], $0xA000  }
0x6f: {  	[sflag:s21] =	ssyncset.done @p0 $0x0  }
0x70: {  	s22 =	simm.s32 @!p0 $0x0;
	[sflag:s21] =	ssyncadd.s32 @p0 $0xFFFF6000;
	s21 =	sadd.s32 @!p0 s20, s13  }
0x71: {  	[tilespmem:s22], [sflag:$0x1] =	stream.linear.gather @!p0 [hbm4b:s21+s22], $0x280, $0x38;
	[tilespmem:$0x14500] =	vst v63  }
0x72: {  	s21 =	simm.s32 @!p0 $0x5  }
0x73: {  	_ =	swait.ge @!p0 [sflag:s21], $0xA000  }
0x74: {  	[sflag:s21] =	ssyncset.done @!p0 $0x0  }
0x75: {  	[sflag:s21] =	ssyncadd.s32 @!p0 $0xFFFF6000;
	s21 =	simm.s32 @!p0 $0x1  }
0x76: {  	_ =	swait.ge @!p0 [sflag:s21], $0x280  }
0x77: {  	[sflag:s21] =	ssyncset.done @!p0 $0x0  }
0x78: {  	s23 =	simm.s32 @!p0 $0x500;
	[sflag:s21] =	ssyncadd.s32 @!p0 $0xFFFFFD80;
	s21 =	simm.s32 @!p0 $0x80  }
0x79: {  	[tilespmem:s23], [sflag:$0x3] =	stream.indirect.gather @!p0 [hbm4b:s3+s21], $0x40, s22, s21, $0xb8;
	[tilespmem:$0x14500] =	vst v63  }
0x7a: {  	s22 =	simm.s32 @!p0 $0x2500  }
0x7b: {  	[tilespmem:s22], [sflag:$0x3] =	stream.indirect.gather @!p0 [hbm4b:s3+s21], $0x40, s21, s21, $0xb8;
	[tilespmem:$0x14500] =	vst v63  }
0x7c: {  	s23 =	simm.s32 @!p0 $0x4500;
	s22 =	simm.s32 @!p0 $0x100  }
0x7d: {  	[tilespmem:s23], [sflag:$0x3] =	stream.indirect.gather @!p0 [hbm4b:s3+s21], $0x40, s22, s21, $0xb8;
	[tilespmem:$0x14500] =	vst v63  }
0x7e: {  	s22 =	simm.s32 @!p0 $0x180;
	s23 =	simm.s32 @!p0 $0x6500  }
0x7f: {  	[tilespmem:s23], [sflag:$0x3] =	stream.indirect.gather @!p0 [hbm4b:s3+s21], $0x40, s22, s21, $0xb8;
	[tilespmem:$0x14500] =	vst v63  }
0x80: {  	s22 =	simm.s32 @!p0 $0x200;
	s23 =	simm.s32 @!p0 $0x8500  }
0x81: {  	[tilespmem:s23], [sflag:$0x3] =	stream.indirect.gather @!p0 [hbm4b:s3+s21], $0x40, s22, s21, $0xb8;
	[tilespmem:$0x14500] =	vst v63  }
.Ltmp2:
0x82: {  	_ = 	snop;
	(pc) =	sbr.rel @p0 .LBB2_4-.Ltmp2, $4  }
0x83: {  	_ =	swait.ge [sflag:s10], $0xA000  }
0x84: {  	[sflag:s10] =	ssyncset.done $0x0  }
0x85: {  	[sflag:s10] =	ssyncadd.s32 $0xFFFF6000  }
0x86: {  	[hbm4b:s19+s8] =	stream.strided.scatter [tilespmem:s28], [sflag:$0x6], $0xA000, s16, s8, $0x38;
	[tilespmem:$0x14500] =	vst v63  }
.Ltmp3:
0x87: {  	(pc) =	sbr.rel .LBB2_2-.Ltmp3, $4  }
0x88: {  	_ = 	snop  }
0x89: {  	s21 =	sadd.s32 s20, s11  }
0x8a: {  	s20 =	sadd.s32 $0xA0, s20;
	s19 =	sadd.s32 $0x5000, s19;
	s14 =	sadd.s32 $0x5000, s14  }
0x8b: {  	[tilespmem:s25], [sflag:$0x2] =	stream.linear.gather [hbm4b:s21+s2], $0x280, $0x38;
	[tilespmem:$0x14500] =	vst v63  }
.LBB2_5:
0x8c: {  	_ =	sfence.sel $0x180000  }
0x8d: {  	[bflag:$0x0] =	sbarrier.arrive $0xFFFF  }
0x8e: {  	_ =	strace $0x90000047  }
0x8f: {  	s0 =	stileid.u32;
	[bflag:$0x2] =	sbarrier.arrive $0xFFFF  }
0x90: {  	p0 =	sne.s32 s0, $0x0;
	s0 =	rddreg [dreg:$0x1]  }
0x91: {  	s0 =	sadd.s32 @!p0 $0x100000, s0  }
0x92: {  	[sflag:s0] =	ssyncadd.tile.s32 @!p0 $0x1;
	_ =	shalt  }
.Lfunc_end2:
_tile_overlayer_lowered:
.L_overlay_start_2:
0x93: {  	(tag) =	ssettag $0x2  }
0x94: {  	s0 =	rddreg [dreg:$0x0];
	s2 =	stileid.u32  }
0x95: {  	s1 =	rddreg [dreg:$0x1];
	p0 =	sne.s32 s2, $0x0  }
0x96: {  	s3 =	rddreg [dreg:$0x2];
	[bflag:$0x3] =	sbarrier.arrive $0xFFFF;
	s2 =	simm.s32 @!p0 $0x1C07  }
0x97: {  	[timem:s3], [sflag:s2] =	dma.local @!p0 [hbm:s0], s1  }
0x98: {  	s0 =	simm.s32 @!p0 $0x7  }
0x99: {  	_ =	swait.ge @!p0 [sflag:s0], s1  }
0x9a: {  	s1 =	ssub.s32 @!p0 $0x0, s1;
	[sflag:s0] =	ssyncset.done @!p0 $0x0  }
0x9b: {  	[sflag:s0] =	ssyncadd.s32 @!p0 s1  }
0x9c: {  	[bflag:$0x3] =	sbarrier.arrive $0xFFFF  }
0x9d: {  	_ =	shalt  }

// kernel: sparse-core-data-format-call.cloned.1.call-start
scs
called_computation_lowered:
.L_overlay_start_0:
0x0: {  	s2 =	sld [smem:$0x3FD9]  }
0x1: {  	s3 =	sld [smem:$0x3FFE];
	_ =	sdelay $0x1  }
0x2: {  	s1 =	srdreg.scid  }
0x3: {  	s0 =	sand.u32 $0x1, s1  }
0x4: {  	s18 =	sshll.u32 s0, $0xA;
	s2 =	sadd.s32 s3, s2  }
0x5: {  	s2 =	sadd.s32 s2, s18  }
0x6: {  	[smem:$0x3FC6] =	sst s2  }
0x7: {  	_ = 	snop  }
0x8: {  	s2 =	sld [smem:$0x3FD0];
	(tm) =	ssettm $0x1  }
0x9: {  	s19 =	sld [smem:$0x3FFB];
	_ =	sdelay $0x3  }
0xa: {  	_ =	strace s19  }
0xb: {  	s3 =	sld [smem:$0x3FFC];
	_ =	sdelay $0x3  }
0xc: {  	_ =	strace s3  }
0xd: {  	s3 =	sld [smem:$0x3FFD];
	_ =	sdelay $0x3  }
0xe: {  	_ =	strace s3  }
0xf: {  	_ =	strace $0x8FFFFFFF  }
0x10: {  	s20 =	sld [smem:$0x3FDB];
	_ =	sdelay $0x1  }
0x11: {  	s4 =	simm.s32 $_scs_section_size  }
0x12: {  	s5 =	simm.s32 $_size__tile_overlayer_lowered;
	s6 =	simm.s32 $_tile_overlayer_lowered  }
0x13: {  	s23 =	simm.s32 $0x1BFF;
	s22 =	sshll.u32 s6, $0x1;
	s3 =	sadd.s32 s4, s20  }
0x14: {  	s7 =	simm.s32 $0x0;
	s21 =	sshll.u32 s5, $0x1;
	s5 =	sadd.s32 s22, s3  }
0x15: {  	[timem:s7], [sflag:s23] =	dma.local [hbm:s5], s21  }
0x16: {  	_ =	swait.ge [sflag:s23], s21  }
0x17: {  	s4 =	ssub.s32 $0x0, s21;
	[sflag:s23] =	ssyncset.done $0x0  }
0x18: {  	[sflag:s23] =	ssyncadd.s32 s4;
	_ =	sdelay $0x1  }
0x19: {  	s24 =	simm.s32 $0x1B8B  }
0x1a: {  	_ =	swait.ge [sflag:s24], $0x1  }
0x1b: {  	[sflag:s24] =	ssyncset.done $0x0  }
0x1c: {  	s26 =	simm.s32 $0x1B8E;
	s25 =	sld [smem:$0x3FFE];
	[sflag:s24] =	ssyncadd.s32 $0xFFFFFFFF  }
0x1d: {  	s27 =	simm.s32 $execute0_lowered;
	[smem:$0x3FD2] =	sst s26  }
0x1e: {  	s5 =	sshll.u32 s27, $0x1;
	_ =	strace $0x80000049;
	[dreg:$0x1] =	wrdreg $0xFFFFFFFF  }
0x1f: {  	s28 =	simm.s32 $_size_execute0_lowered;
	s3 =	sadd.s32 s3, s5;
	[dreg:$0x0] =	wrdreg $0x0  }
0x20: {  	s5 =	sshll.u32 s28, $0x1;
	[dreg:$0x2] =	wrdreg s3  }
0x21: {  	[dreg:$0x3] =	wrdreg s5  }
0x22: {  	[dreg:$0x4] =	wrdreg $0xC0  }
0x23: {  	_ =	task [dreg:s7], $0x5FFFF  }
0x24: {  	[dreg:$0x1] =	wrdreg $0xFFFFFFFF  }
0x25: {  	[dreg:$0x0] =	wrdreg $0x60  }
0x26: {  	[dreg:$0x2] =	wrdreg s25  }
0x27: {  	[dreg:$0x3] =	wrdreg s2  }
0x28: {  	[dreg:$0x4] =	wrdreg $0x9  }
0x29: {  	_ =	task.clear_ibuf [dreg:s7], $0x5FFFF;
	_ =	strace $0x90000049  }
0x2a: {  	s29 =	simm.s32 $0x9;
	_ =	strace $0x8000004B  }
0x2b: {  	_ =	swait.ge [sflag:s29], $0x1  }
0x2c: {  	[sflag:s29] =	ssyncadd.s32 $0xFFFFFFFF  }
0x2d: {  	_ =	strace $0x9000004B  }
0x2e: {  	_ =	sfence  }
0x2f: {  	s30 =	sld [smem:$0x0];
	_ =	sdelay $0x2  }
0x30: {  	s31 =	sshll.u32 s1, $0xD;
	s1 =	sshrl.u32 s1, $0x2  }
0x31: {  	s3 =	sand.u32 $0x4000, s31;
	s1 =	sadd.s32 s1, s30  }
0x32: {  	s0 =	sor.u32 s3, s0;
	s1 =	sshll.u32 s1, $0x11  }
0x33: {  	s0 =	sor.u32 s1, s0  }
0x34: {  	s0 =	sadd.s32 $0x8F2B, s0  }
0x35: {  	[sflag:s0] =	ssyncadd.remote.s32 $0x1  }
0x36: {  	_ =	sfence.sel $0xFFFF  }
0x37: {  	[dreg:$0x0] =	wrdreg $0xFFFFFFFF;
	(pc) =	sbr.abs _section_cstart, $3  }
0x38: {  	[dreg:$0x1] =	wrdreg $0xFFFFFFFF  }
0x39: {  	_ =	task.clear_ibuf [dreg:s7], $0x2FFFF;
	_ =	strace $0x9FFFFFFF  }
0x3a: {  	(tm) =	ssettm $0x7FFFFFFF  }
0x3b: {  	_ =	shalt  }
tec
execute0_lowered:
.L_overlay_start_1:
0x0: {  	(tag) =	ssettag $0x1  }
0x1: {  	s0 =	srdreg.scid  }
0x2: {  	s1 =	sshll.u32 s0, $0x4  }
0x3: {  	s0 =	stileid.u32;
	s1 =	sand.u32 $0x10, s1  }
0x4: {  	s1 =	sor.u32 s0, s1  }
0x5: {  	s6 =	rddreg [dreg:$0x0];
	s4 =	simm.s32 $0x1;
	s2 =	sshll.u32 s1, $0x7  }
0x6: {  	s7 =	simm.s32 $0x2;
	s12 =	simm.s32 $0x0;
	s1 =	ssub.s32 $0x4000, s2  }
0x7: {  	s8 =	simm.s32 $0x20000;
	s13 =	simm.s32 $0x0;
	s3 =	sand.u32 $0xF80, s1  }
0x8: {  	s9 =	simm.s32 $0x0;
	s5 =	sshrl.u32 s1, $0xC;
	p0 =	sne.s32 s3, $0x0  }
.Ltmp0:
0x9: {  	s1 =	rddreg [dreg:$0x2];
	s4 =	simm.s32 @!p0 $0x0;
	(pc) =	sbr.rel .LBB1_1-.Ltmp0, $4  }
0xa: {  	s11 =	simm.s32 $0x0;
	s3 =	rddreg [dreg:$0x1];
	s5 =	sadd.s32 s4, s5  }
0xb: {  	_ =	strace $0x8000004A;
	s4 =	simm.s32 $0x1;
	s5 =	smul.u32 $0xC8, s5  }
0xc: {  	s6 =	sadd.s32 $0x805A00, s6;
	s10 =	smov.u32 s2;
	[sflag:s4] =	ssyncpa.u1 $0x0  }
0xd: {  	p0 =	por $0x0, $0x0;
	[sflag:s7] =	ssyncpa.u1 $0x0;
	s7 =	sor.u32 $0x1, s5  }
.LBB1_4:
0xe: {  	s16 =	sshll.u32 s13, $0x3;
	s17 =	sand.u32 $0x78, s13  }
0xf: {  	s30 =	sand.u32 $0x1F800, s13;
	s12 =	sshll.u32 s12, $0x11;
	s16 =	sand.u32 $0x3C00, s16  }
0x10: {  	[tilespmem:s15+$0x810 ss:$0x81] =	vst.msk $0xffff, v2;
	s31 =	sand.u32 $0x7, s13;
	s16 =	sor.u32 s17, s16;
	s17 =	sadd.s32 s3, s30  }
0x11: {  	[tilespmem:s15+$0x1020 ss:$0x81] =	vst.msk $0xffff, v0;
	s13 =	sshll.u32 s31, $0x12;
	s12 =	sadd.s32 s12, s17;
	s16 =	sshrl.u32 s16, $0x3  }
0x12: {  	[tilespmem:s15+$0x0 ss:$0x81] =	vst.msk $0xffff, v1;
	s13 =	sor.u32 $0x400, s13;
	s12 =	sadd.s32 s16, s12  }
0x13: {  	[hbm4b:s12+s13] =	stream.strided.scatter [tilespmem:s14], [sflag:$0x2], $0x2000, s8, s13, $0x20;
	[tilespmem:$0x8080] =	vst v63  }
.LBB1_5:
0x14: {  	s14 =	sadd.s32 $0x1, s9  }
0x15: {  	s12 =	sadd.s32 $0x1000, s10;
	s16 =	smov.u32 s10;
	p2 =	sgt.s32 s14, $0xC7  }
0x16: {  	s16 =	smov.u32 @p2 s12  }
0x17: {  	s14 =	simm.s32 @p2 $0x0;
	p2 =	sgt.s32 s16, $0x3FFF  }
0x18: {  	s16 =	smov.u32 @p2 s2;
	p2 =	sne.s32 s11, s7  }
.Ltmp1:
0x19: {  	p1 =	slt.u32 s11, $0x2;
	(pc) =	sbr.rel @!p2 .LBB1_6-.Ltmp1, $4  }
0x1a: {  	s15 =	simm.s32 @!p1 $0x2  }
0x1b: {  	s13 =	smov.u32 s10;
	p0 =	por !p0, !p0;
	_ =	swait.ge @!p1 [sflag:s15], $0x2000  }
0x1c: {  	s12 =	smov.u32 s9;
	[sflag:s15] =	ssyncset.done @!p1 $0x0;
	s9 =	smov.u32 s14  }
0x1d: {  	s11 =	sadd.s32 $0x1, s11;
	[sflag:s15] =	ssyncadd.s32 @!p1 $0xFFFFE000;
	s10 =	smov.u32 s16  }
.LBB1_1:
0x1e: {  	p1 =	sge.u32 s11, s5  }
0x1f: {  	s14 =	sand.u32 @!p1 $0x1FFFFFF, s9  }
0x20: {  	s15 =	smulhi.u32 @!p1 $0x147AE15, s14;
	_ =	sdelay $0x1  }
0x21: {  	s15 =	smul.u32 @!p1 $0xC8, s15  }
0x22: {  	s16 =	sxor.u32 @!p1 $0xFFFFFFFF, s11;
	s17 =	smul.u32 @!p1 $0xC80, s10  }
0x23: {  	s31 =	sadd.s32 $0xFFFFFFFF, s11;
	s16 =	sshll.u32 @!p1 s16, $0xD;
	s14 =	ssub.s32 @!p1 s14, s15  }
0x24: {  	s15 =	sand.u32 @!p1 $0x2000, s16;
	s16 =	sadd.s32 @!p1 s6, s17;
	s14 =	sshll.u32 @!p1 s14, $0x4  }
0x25: {  	s17 =	simm.s32 @!p1 $0x6400;
	s14 =	sadd.s32 @!p1 s14, s16;
	s16 =	simm.s32 @!p1 $0x40  }
0x26: {  	[tilespmem:s15], [sflag:$0x1] =	stream.strided.gather @!p1 [hbm4b:s14+s16], $0x2000, s17, s16, $0x38;
	[tilespmem:$0x8080] =	vst v63  }
0x27: {  	p1 =	sge.u32 s31, s5  }
.Ltmp2:
0x28: {  	_ = 	snop;
	(pc) =	sbr.rel @p1 .LBB1_5-.Ltmp2, $1  }
0x29: {  	_ =	sdelay $0x3  }
0x2a: {  	s14 =	simm.s32 $0x1  }
0x2b: {  	_ =	swait.ge [sflag:s4], $0x2000;
	s14 =	simm.s32 @!p0 $0x0  }
0x2c: {  	[sflag:s4] =	ssyncset.done $0x0;
	s15 =	sshll.u32 s14, $0xD  }
0x2d: {  	[sflag:s4] =	ssyncadd.s32 $0xFFFFE000;
	s18 =	sor.u32 $0x20, s15  }
0x2e: {  	s14 =	smul.u32 $0x8100, s14;
	v3 =	vld [tilespmem:s18+$0x10]  }
0x2f: {  	s30 =	sand.u32 $0x1, s11;
	v2 =	vld [tilespmem:s18+$0xFFFFFFF0]  }
0x30: {  	s15 =	smul.u32 $0x8100, s30;
	s14 =	sshrl.u32 s14, $0x2;
	v0 =	vld [tilespmem:s18+$0x0]  }
0x31: {  	v1 =	vld [tilespmem:s18+$0xFFFFFFE0];
	s16 =	sor.u32 $0x4000, s14  }
0x32: {  	s31 =	sshrl.u32 s15, $0x2;
	s15 =	sadd.s32 $0x0, s16  }
0x33: {  	s17 =	simm.s32 $0x4;
	s18 =	sadd.s32 $0x40, s18;
	s14 =	sor.u32 $0x4000, s31;
	[tilespmem:s15+$0x1830 ss:$0x81] =	vst.msk $0xffff, v3  }
.LBB1_3:
0x34: {  	v3 =	vld [tilespmem:s18+$0x10];
	p1 =	sne.s32 s17, $0x1FC;
	[tilespmem:s15+$0x810 ss:$0x81] =	vst.msk $0xffff, v2;
	s19 =	smov.u32 s17;
	s17 =	sadd.s32 $0x4, s17  }
.Ltmp3:
0x35: {  	v2 =	vld [tilespmem:s18+$0xFFFFFFF0];
	[tilespmem:s15+$0x1020 ss:$0x81] =	vst.msk $0xffff, v0;
	(pc) =	sbr.rel @p1 .LBB1_3-.Ltmp3, $4  }
0x36: {  	v0 =	vld [tilespmem:s18+$0x0];
	[tilespmem:s15+$0x0 ss:$0x81] =	vst.msk $0xffff, v1  }
0x37: {  	s15 =	sshra.s32 s19, $0x2;
	v1 =	vld [tilespmem:s18+$0xFFFFFFE0]  }
0x38: {  	s15 =	sadd.s32 s15, s16  }
0x39: {  	s18 =	sadd.s32 $0x40, s18;
	[tilespmem:s15+$0x1830 ss:$0x81] =	vst.msk $0xffff, v3  }
.Ltmp4:
0x3a: {  	_ = 	snop;
	(pc) =	sbr.rel .LBB1_4-.Ltmp4, $1  }
0x3b: {  	_ =	sdelay $0x3  }
.LBB1_6:
0x3c: {  	_ =	sfence.sel $0x180000  }
0x3d: {  	s2 =	simm.s32 $0x1;
	[bflag:$0x0] =	sbarrier.arrive $0xFFFF  }
0x3e: {  	s31 =	simm.s32 $0x2;
	[sflag:s2] =	ssyncpa.u1 $0x1  }
0x3f: {  	[sflag:s31] =	ssyncpa.u1 $0x1  }
0x40: {  	p0 =	sne.s32 s0, $0x0;
	_ =	strace $0x9000004A  }
0x41: {  	s0 =	sadd.s32 @!p0 $0x100000, s1;
	[bflag:$0x2] =	sbarrier.arrive $0xFFFF  }
0x42: {  	[sflag:s0] =	ssyncadd.tile.s32 @!p0 $0x1;
	_ =	shalt  }
.Lfunc_end1:
_tile_overlayer_lowered:
.L_overlay_start_2:
0x43: {  	(tag) =	ssettag $0x2  }
0x44: {  	s0 =	rddreg [dreg:$0x0];
	s2 =	stileid.u32  }
0x45: {  	s1 =	rddreg [dreg:$0x1];
	p0 =	sne.s32 s2, $0x0  }
0x46: {  	s3 =	rddreg [dreg:$0x2];
	[bflag:$0x3] =	sbarrier.arrive $0xFFFF;
	s2 =	simm.s32 @!p0 $0x1C01  }
0x47: {  	[timem:s3], [sflag:s2] =	dma.local @!p0 [hbm:s0], s1  }
0x48: {  	s0 =	simm.s32 @!p0 $0x1  }
0x49: {  	_ =	swait.ge @!p0 [sflag:s0], s1  }
0x4a: {  	s1 =	ssub.s32 @!p0 $0x0, s1;
	[sflag:s0] =	ssyncset.done @!p0 $0x0  }
0x4b: {  	[sflag:s0] =	ssyncadd.s32 @!p0 s1  }
0x4c: {  	[bflag:$0x3] =	sbarrier.arrive $0xFFFF  }
0x4d: {  	_ =	shalt  }

</sc_bundles>
